<compile_context>
chip_gen: v7x
topology: tpu7x:2x2x1
jax: 0.10.2.dev20260603
libtpu: 0.0.44.dev20260713+nightly
codegen_flags: <defaults>
</compile_context>

<pallas_src>
import jax
import jax.numpy as jnp
from jax import lax
from jax.experimental import pallas as pl
from jax.experimental.pallas import tpu as pltpu
from jax.experimental.pallas import tpu_sc as plsc

VOCAB = 100000
MAXLEN = 200
EMBED = 128
BATCH = 4096

NUM_CORES = 2
NUM_SUBCORES = 16
NW = NUM_CORES * NUM_SUBCORES
SEQ_PER_W = BATCH // NW
ROWS_PER_W = SEQ_PER_W * MAXLEN
LANES = 16
VREGS_PER_ROW = EMBED // LANES
NBUF = 3
SPLIT = 104


def _body(x_hbm, tok_hbm, pos_hbm, out_hbm,
          idx_v, r0, r1, r2, pos_v,
          ga0, ga1, ga2, gb0, gb1, gb2, w0, w1, w2):
    rows = (r0, r1, r2)
    gsa = (ga0, ga1, ga2)
    gsb = (gb0, gb1, gb2)
    ws = (w0, w1, w2)

    wid = lax.axis_index("s") * NUM_CORES + lax.axis_index("c")
    row_base = wid * ROWS_PER_W

    pltpu.sync_copy(x_hbm.at[pl.ds(row_base, ROWS_PER_W)], idx_v)
    pltpu.sync_copy(pos_hbm, pos_v)

    def fire(g, b):
        off = g * MAXLEN
        pltpu.async_copy(
            tok_hbm.at[idx_v.at[pl.ds(off, SPLIT)]],
            rows[b].at[pl.ds(0, SPLIT)], gsa[b])
        pltpu.async_copy(
            tok_hbm.at[idx_v.at[pl.ds(off + SPLIT, MAXLEN - SPLIT)]],
            rows[b].at[pl.ds(SPLIT, MAXLEN - SPLIT)], gsb[b])

    def wait_gather_a(b):
        pltpu.make_async_copy(
            tok_hbm.at[idx_v.at[pl.ds(0, SPLIT)]],
            rows[b].at[pl.ds(0, SPLIT)], gsa[b]).wait()

    def wait_gather_b(b):
        pltpu.make_async_copy(
            tok_hbm.at[idx_v.at[pl.ds(SPLIT, MAXLEN - SPLIT)]],
            rows[b].at[pl.ds(SPLIT, MAXLEN - SPLIT)], gsb[b]).wait()

    def wait_write(b):
        pltpu.make_async_copy(
            rows[b].at[pl.ds(0, SPLIT)],
            out_hbm.at[pl.ds(row_base, SPLIT)], ws[b]).wait()
        pltpu.make_async_copy(
            rows[b].at[pl.ds(SPLIT, MAXLEN - SPLIT)],
            out_hbm.at[pl.ds(row_base, MAXLEN - SPLIT)], ws[b]).wait()

    fire(0, 0)

    def outer(k, carry):
        for b in range(NBUF):
            g = k * NBUF + b
            nb = (b + 1) % NBUF

            @pl.when(g < SEQ_PER_W)
            def _chunk():
                @pl.when(g + 1 < SEQ_PER_W)
                def _prefetch():
                    @pl.when(g + 1 >= NBUF)
                    def _drain():
                        wait_write(nb)
                    fire(g + 1, nb)

                def add_row(i, acc):
                    for j in range(VREGS_PER_ROW):
                        sl = pl.ds(j * LANES, LANES)
                        rows[b][i, sl] = rows[b][i, sl] + pos_v[i, sl]
                    return acc

                out_off = row_base + g * MAXLEN

                wait_gather_a(b)
                lax.fori_loop(0, SPLIT, add_row, 0)
                pltpu.async_copy(
                    rows[b].at[pl.ds(0, SPLIT)],
                    out_hbm.at[pl.ds(out_off, SPLIT)], ws[b])

                wait_gather_b(b)
                lax.fori_loop(SPLIT, MAXLEN, add_row, 0)
                pltpu.async_copy(
                    rows[b].at[pl.ds(SPLIT, MAXLEN - SPLIT)],
                    out_hbm.at[pl.ds(out_off + SPLIT, MAXLEN - SPLIT)], ws[b])
        return carry

    lax.fori_loop(0, (SEQ_PER_W + NBUF - 1) // NBUF, outer, 0)

    for b in range(NBUF):
        wait_write(b)


@jax.jit
def kernel(x, token_table, pos_table):
    x_flat = x.reshape(-1).astype(jnp.int32)
    mesh = plsc.VectorSubcoreMesh(core_axis_name="c", subcore_axis_name="s")
    out = pl.kernel(
        _body,
        mesh=mesh,
        out_type=jax.ShapeDtypeStruct((BATCH * MAXLEN, EMBED), jnp.float32),
        scratch_types=(
            [pltpu.VMEM((ROWS_PER_W,), jnp.int32)]
            + [pltpu.VMEM((MAXLEN, EMBED), jnp.float32) for _ in range(NBUF)]
            + [pltpu.VMEM((MAXLEN, EMBED), jnp.float32)]
            + [pltpu.SemaphoreType.DMA for _ in range(3 * NBUF)]
        ),
    )(x_flat, token_table, pos_table)
    return out.reshape(BATCH, MAXLEN, EMBED)

# --- scband reference (transcript-rebuilt; emitter-appended) ---
"""Pipeline reference for scband-token-and-position-embedding-17394617549265 (READ-ONLY COPY).

The authoritative reference and input builder live on the scoring server;
editing this copy changes nothing except your own understanding.
"""

import jax, jax.numpy as jnp
import numpy as np

VOCAB = 100000
MAXLEN = 200
EMBED = 128
BATCH = 4096

def setup_inputs(seed: int = 0) -> dict:
    key = jax.random.key(seed)
    k1, k2, k3 = jax.random.split(key, 3)
    x = jax.random.randint(k1, (BATCH, MAXLEN), 0, VOCAB, dtype=jnp.int32).astype(jnp.int64)
    token_table = jax.random.normal(k2, (VOCAB, EMBED), dtype=jnp.float32) * 0.05
    pos_table = jax.random.normal(k3, (MAXLEN, EMBED), dtype=jnp.float32) * 0.05
    return {"x": x, "token_table": token_table, "pos_table": pos_table}

def reference(x, token_table, pos_table):
    seq_len = x.shape[-1]
    positions = jnp.arange(0, seq_len)
    pos_embed = jnp.take(pos_table, positions, axis=0)  # [seq_len, embed]
    tok_embed = jnp.take(token_table, x, axis=0)        # [batch, seq_len, embed]
    return tok_embed + pos_embed

if __name__ == "__main__":
    import jax
    _d = setup_inputs()
    print(jax.jit(kernel)(*tuple(_d.values())))

</pallas_src>

<mosaic_0001>
#map = affine_map<(d0, d1) -> (0)>
#map1 = affine_map<(d0, d1) -> (0, 0)>
module attributes {stable_mosaic.version = 14 : i64} {
  func.func @_body(%arg0: i32, %arg1: i32, %arg2: memref<819200xi32, #tpu.memory_space<hbm>>, %arg3: memref<100000x128xf32, #tpu.memory_space<hbm>>, %arg4: memref<200x128xf32, #tpu.memory_space<hbm>>, %arg5: memref<819200x128xf32, #tpu.memory_space<hbm>>, %arg6: memref<25600xi32, #tpu.memory_space<vmem>>, %arg7: memref<200x128xf32, #tpu.memory_space<vmem>>, %arg8: memref<200x128xf32, #tpu.memory_space<vmem>>, %arg9: memref<200x128xf32, #tpu.memory_space<vmem>>, %arg10: memref<200x128xf32, #tpu.memory_space<vmem>>, %arg11: memref<!tpu.dma_semaphore, #tpu.memory_space<semaphore_mem>>, %arg12: memref<!tpu.dma_semaphore, #tpu.memory_space<semaphore_mem>>, %arg13: memref<!tpu.dma_semaphore, #tpu.memory_space<semaphore_mem>>, %arg14: memref<!tpu.dma_semaphore, #tpu.memory_space<semaphore_mem>>, %arg15: memref<!tpu.dma_semaphore, #tpu.memory_space<semaphore_mem>>, %arg16: memref<!tpu.dma_semaphore, #tpu.memory_space<semaphore_mem>>, %arg17: memref<!tpu.dma_semaphore, #tpu.memory_space<semaphore_mem>>, %arg18: memref<!tpu.dma_semaphore, #tpu.memory_space<semaphore_mem>>, %arg19: memref<!tpu.dma_semaphore, #tpu.memory_space<semaphore_mem>>) attributes {dimension_semantics = [#tpu.dimension_semantics<core_parallel>, #tpu.dimension_semantics<subcore_parallel>], iteration_bounds = array<i64: 2, 16>, scalar_prefetch = 0 : i64, scratch_operands = 14 : i64, tpu.core_type = #tpu.core_type<sc_vector_subcore>, window_params = [{transform_indices = #map}, {transform_indices = #map1}, {transform_indices = #map1}, {transform_indices = #map1}]} {
    %mul3A = arith.constant 2 : i32
    %mul3A_0 = arith.muli %arg1, %mul3A : i32
    %add3A = arith.addi %mul3A_0, %arg0 : i32
    %mul3A_1 = arith.constant 25600 : i32
    %mul3A_2 = arith.muli %add3A, %mul3A_1 : i32
    "tpu.region"() ({
      %run_scoped3A = tpu.sem_alloc : memref<!tpu.dma_semaphore, #tpu.memory_space<semaphore_mem>>
      %dma_start3A_82 = tpu.memref_slice %arg2[%mul3A_2] : memref<819200xi32, #tpu.memory_space<hbm>> -> memref<25600xi32, #tpu.memory_space<hbm>>
      %dma_start3A_83 = tpu.memref_slice %arg2[%mul3A_2] : memref<819200xi32, #tpu.memory_space<hbm>> -> memref<25600xi32, #tpu.memory_space<hbm>>
      tpu.enqueue_dma source(%dma_start3A_83 : memref<25600xi32, #tpu.memory_space<hbm>>) target(%arg6 : memref<25600xi32, #tpu.memory_space<vmem>>) target_semaphore(%run_scoped3A : memref<!tpu.dma_semaphore, #tpu.memory_space<semaphore_mem>>)
      %dma_wait3A_84 = tpu.memref_slice %arg2[%mul3A_2] : memref<819200xi32, #tpu.memory_space<hbm>> -> memref<25600xi32, #tpu.memory_space<hbm>>
      %dma_wait3A_85 = tpu.memref_slice %arg2[%mul3A_2] : memref<819200xi32, #tpu.memory_space<hbm>> -> memref<25600xi32, #tpu.memory_space<hbm>>
      tpu.wait_dma2 semaphore(%run_scoped3A : memref<!tpu.dma_semaphore, #tpu.memory_space<semaphore_mem>>) src(%dma_wait3A_85 : memref<25600xi32, #tpu.memory_space<hbm>>) dst(%arg6 : memref<25600xi32, #tpu.memory_space<vmem>>)
      tpu.yield
    }) : () -> ()
    "tpu.region"() ({
      %run_scoped3A = tpu.sem_alloc : memref<!tpu.dma_semaphore, #tpu.memory_space<semaphore_mem>>
      tpu.enqueue_dma source(%arg4 : memref<200x128xf32, #tpu.memory_space<hbm>>) target(%arg10 : memref<200x128xf32, #tpu.memory_space<vmem>>) target_semaphore(%run_scoped3A : memref<!tpu.dma_semaphore, #tpu.memory_space<semaphore_mem>>)
      tpu.wait_dma2 semaphore(%run_scoped3A : memref<!tpu.dma_semaphore, #tpu.memory_space<semaphore_mem>>) src(%arg4 : memref<200x128xf32, #tpu.memory_space<hbm>>) dst(%arg10 : memref<200x128xf32, #tpu.memory_space<vmem>>)
      tpu.yield
    }) : () -> ()
    %dma_start3A = arith.constant 0 : i32
    %dma_start3A_3 = arith.constant 0 : i32
    %dma_start3A_4 = tpu.memref_slice %arg7[%dma_start3A, %dma_start3A_3] : memref<200x128xf32, #tpu.memory_space<vmem>> -> memref<104x128xf32, #tpu.memory_space<vmem>>
    %dma_start3A_5 = arith.constant 0 : i32
    %dma_start3A_6 = tpu.memref_slice %arg6[%dma_start3A_5] : memref<25600xi32, #tpu.memory_space<vmem>> -> memref<104xi32, #tpu.memory_space<vmem>>
    %dma_start3A_7 = arith.constant 0 : i32
    %dma_start3A_8 = arith.constant 0 : i32
    %dma_start3A_9 = tpu.memref_slice %arg3[%dma_start3A_7, %dma_start3A_8] : memref<100000x128xf32, #tpu.memory_space<hbm>> -> memref<100000x128xf32, #tpu.memory_space<hbm>>
    tpu.enqueue_indirect_dma source(%dma_start3A_9 : memref<100000x128xf32, #tpu.memory_space<hbm>>) target(%dma_start3A_4 : memref<104x128xf32, #tpu.memory_space<vmem>>) offsets(%dma_start3A_6 : memref<104xi32, #tpu.memory_space<vmem>>) semaphore(%arg11 : memref<!tpu.dma_semaphore, #tpu.memory_space<semaphore_mem>>)
    %dma_start3A_10 = arith.constant 104 : i32
    %dma_start3A_11 = arith.constant 0 : i32
    %dma_start3A_12 = tpu.memref_slice %arg7[%dma_start3A_10, %dma_start3A_11] : memref<200x128xf32, #tpu.memory_space<vmem>> -> memref<96x128xf32, #tpu.memory_space<vmem>>
    %dma_start3A_13 = arith.constant 104 : i32
    %dma_start3A_14 = tpu.memref_slice %arg6[%dma_start3A_13] : memref<25600xi32, #tpu.memory_space<vmem>> -> memref<96xi32, #tpu.memory_space<vmem>>
    %dma_start3A_15 = arith.constant 0 : i32
    %dma_start3A_16 = arith.constant 0 : i32
    %dma_start3A_17 = tpu.memref_slice %arg3[%dma_start3A_15, %dma_start3A_16] : memref<100000x128xf32, #tpu.memory_space<hbm>> -> memref<100000x128xf32, #tpu.memory_space<hbm>>
    tpu.enqueue_indirect_dma source(%dma_start3A_17 : memref<100000x128xf32, #tpu.memory_space<hbm>>) target(%dma_start3A_12 : memref<96x128xf32, #tpu.memory_space<vmem>>) offsets(%dma_start3A_14 : memref<96xi32, #tpu.memory_space<vmem>>) semaphore(%arg14 : memref<!tpu.dma_semaphore, #tpu.memory_space<semaphore_mem>>)
    %scan3A = arith.constant 0 : i32
    %scan3A_18 = arith.constant 0 : i32
    %scan3A_19 = arith.constant 43 : i32
    %scan3A_20 = arith.addi %scan3A_18, %scan3A_19 : i32
    %scan3A_21 = arith.constant 1 : i32
    scf.for %scan3A_82 = %scan3A_18 to %scan3A_20 step %scan3A_21  : i32 {
      %mul3A_83 = arith.constant 3 : i32
      %mul3A_84 = arith.muli %scan3A_82, %mul3A_83 : i32
      %add3A_85 = arith.constant 0 : i32
      %add3A_86 = arith.addi %mul3A_84, %add3A_85 : i32
      %lt3A = arith.constant 128 : i32
      %lt3A_87 = arith.cmpi slt, %add3A_86, %lt3A : i32
      %convert_element_type3A = arith.extui %lt3A_87 : i1 to i32
      %cond3A = arith.constant 0 : i32
      %cond3A_88 = arith.cmpi ne, %convert_element_type3A, %cond3A : i32
      scf.if %cond3A_88 {
        %add3A_107 = arith.constant 1 : i32
        %add3A_108 = arith.addi %add3A_86, %add3A_107 : i32
        %lt3A_109 = arith.constant 128 : i32
        %lt3A_110 = arith.cmpi slt, %add3A_108, %lt3A_109 : i32
        %convert_element_type3A_111 = arith.extui %lt3A_110 : i1 to i32
        %cond3A_112 = arith.constant 0 : i32
        %cond3A_113 = arith.cmpi ne, %convert_element_type3A_111, %cond3A_112 : i32
        scf.if %cond3A_113 {
          %add3A_167 = arith.constant 1 : i32
          %add3A_168 = arith.addi %add3A_86, %add3A_167 : i32
          %ge3A = arith.constant 3 : i32
          %ge3A_169 = arith.cmpi sge, %add3A_168, %ge3A : i32
          %convert_element_type3A_170 = arith.extui %ge3A_169 : i1 to i32
          %cond3A_171 = arith.constant 0 : i32
          %cond3A_172 = arith.cmpi ne, %convert_element_type3A_170, %cond3A_171 : i32
          scf.if %cond3A_172 {
            %dma_wait3A_193 = arith.constant 0 : i32
            %dma_wait3A_194 = arith.constant 0 : i32
            %dma_wait3A_195 = tpu.memref_slice %arg8[%dma_wait3A_193, %dma_wait3A_194] : memref<200x128xf32, #tpu.memory_space<vmem>> -> memref<104x128xf32, #tpu.memory_space<vmem>>
            %dma_wait3A_196 = arith.constant 0 : i32
            %dma_wait3A_197 = tpu.memref_slice %arg5[%mul3A_2, %dma_wait3A_196] : memref<819200x128xf32, #tpu.memory_space<hbm>> -> memref<104x128xf32, #tpu.memory_space<hbm>>
            %dma_wait3A_198 = arith.constant 0 : i32
            %dma_wait3A_199 = tpu.memref_slice %arg5[%mul3A_2, %dma_wait3A_198] : memref<819200x128xf32, #tpu.memory_space<hbm>> -> memref<104x128xf32, #tpu.memory_space<hbm>>
            %dma_wait3A_200 = arith.constant 0 : i32
            %dma_wait3A_201 = arith.constant 0 : i32
            %dma_wait3A_202 = tpu.memref_slice %arg8[%dma_wait3A_200, %dma_wait3A_201] : memref<200x128xf32, #tpu.memory_space<vmem>> -> memref<104x128xf32, #tpu.memory_space<vmem>>
            tpu.wait_dma2 semaphore(%arg18 : memref<!tpu.dma_semaphore, #tpu.memory_space<semaphore_mem>>) src(%dma_wait3A_202 : memref<104x128xf32, #tpu.memory_space<vmem>>) dst(%dma_wait3A_199 : memref<104x128xf32, #tpu.memory_space<hbm>>)
            %dma_wait3A_203 = arith.constant 104 : i32
            %dma_wait3A_204 = arith.constant 0 : i32
            %dma_wait3A_205 = tpu.memref_slice %arg8[%dma_wait3A_203, %dma_wait3A_204] : memref<200x128xf32, #tpu.memory_space<vmem>> -> memref<96x128xf32, #tpu.memory_space<vmem>>
            %dma_wait3A_206 = arith.constant 0 : i32
            %dma_wait3A_207 = tpu.memref_slice %arg5[%mul3A_2, %dma_wait3A_206] : memref<819200x128xf32, #tpu.memory_space<hbm>> -> memref<96x128xf32, #tpu.memory_space<hbm>>
            %dma_wait3A_208 = arith.constant 0 : i32
            %dma_wait3A_209 = tpu.memref_slice %arg5[%mul3A_2, %dma_wait3A_208] : memref<819200x128xf32, #tpu.memory_space<hbm>> -> memref<96x128xf32, #tpu.memory_space<hbm>>
            %dma_wait3A_210 = arith.constant 104 : i32
            %dma_wait3A_211 = arith.constant 0 : i32
            %dma_wait3A_212 = tpu.memref_slice %arg8[%dma_wait3A_210, %dma_wait3A_211] : memref<200x128xf32, #tpu.memory_space<vmem>> -> memref<96x128xf32, #tpu.memory_space<vmem>>
            tpu.wait_dma2 semaphore(%arg18 : memref<!tpu.dma_semaphore, #tpu.memory_space<semaphore_mem>>) src(%dma_wait3A_212 : memref<96x128xf32, #tpu.memory_space<vmem>>) dst(%dma_wait3A_209 : memref<96x128xf32, #tpu.memory_space<hbm>>)
          } else {
          }
          %add3A_173 = arith.constant 1 : i32
          %add3A_174 = arith.addi %add3A_86, %add3A_173 : i32
          %mul3A_175 = arith.constant 200 : i32
          %mul3A_176 = arith.muli %add3A_174, %mul3A_175 : i32
          %dma_start3A_177 = arith.constant 0 : i32
          %dma_start3A_178 = arith.constant 0 : i32
          %dma_start3A_179 = tpu.memref_slice %arg8[%dma_start3A_177, %dma_start3A_178] : memref<200x128xf32, #tpu.memory_space<vmem>> -> memref<104x128xf32, #tpu.memory_space<vmem>>
          %dma_start3A_180 = tpu.memref_slice %arg6[%mul3A_176] : memref<25600xi32, #tpu.memory_space<vmem>> -> memref<104xi32, #tpu.memory_space<vmem>>
          %dma_start3A_181 = arith.constant 0 : i32
          %dma_start3A_182 = arith.constant 0 : i32
          %dma_start3A_183 = tpu.memref_slice %arg3[%dma_start3A_181, %dma_start3A_182] : memref<100000x128xf32, #tpu.memory_space<hbm>> -> memref<100000x128xf32, #tpu.memory_space<hbm>>
          tpu.enqueue_indirect_dma source(%dma_start3A_183 : memref<100000x128xf32, #tpu.memory_space<hbm>>) target(%dma_start3A_179 : memref<104x128xf32, #tpu.memory_space<vmem>>) offsets(%dma_start3A_180 : memref<104xi32, #tpu.memory_space<vmem>>) semaphore(%arg12 : memref<!tpu.dma_semaphore, #tpu.memory_space<semaphore_mem>>)
          %add3A_184 = arith.constant 104 : i32
          %add3A_185 = arith.addi %mul3A_176, %add3A_184 : i32
          %dma_start3A_186 = arith.constant 104 : i32
          %dma_start3A_187 = arith.constant 0 : i32
          %dma_start3A_188 = tpu.memref_slice %arg8[%dma_start3A_186, %dma_start3A_187] : memref<200x128xf32, #tpu.memory_space<vmem>> -> memref<96x128xf32, #tpu.memory_space<vmem>>
          %dma_start3A_189 = tpu.memref_slice %arg6[%add3A_185] : memref<25600xi32, #tpu.memory_space<vmem>> -> memref<96xi32, #tpu.memory_space<vmem>>
          %dma_start3A_190 = arith.constant 0 : i32
          %dma_start3A_191 = arith.constant 0 : i32
          %dma_start3A_192 = tpu.memref_slice %arg3[%dma_start3A_190, %dma_start3A_191] : memref<100000x128xf32, #tpu.memory_space<hbm>> -> memref<100000x128xf32, #tpu.memory_space<hbm>>
          tpu.enqueue_indirect_dma source(%dma_start3A_192 : memref<100000x128xf32, #tpu.memory_space<hbm>>) target(%dma_start3A_188 : memref<96x128xf32, #tpu.memory_space<vmem>>) offsets(%dma_start3A_189 : memref<96xi32, #tpu.memory_space<vmem>>) semaphore(%arg15 : memref<!tpu.dma_semaphore, #tpu.memory_space<semaphore_mem>>)
        } else {
        }
        %mul3A_114 = arith.constant 200 : i32
        %mul3A_115 = arith.muli %add3A_86, %mul3A_114 : i32
        %add3A_116 = arith.addi %mul3A_2, %mul3A_115 : i32
        %dma_wait3A_117 = arith.constant 0 : i32
        %dma_wait3A_118 = arith.constant 0 : i32
        %dma_wait3A_119 = tpu.memref_slice %arg7[%dma_wait3A_117, %dma_wait3A_118] : memref<200x128xf32, #tpu.memory_space<vmem>> -> memref<104x128xf32, #tpu.memory_space<vmem>>
        %dma_wait3A_120 = arith.constant 0 : i32
        %dma_wait3A_121 = tpu.memref_slice %arg6[%dma_wait3A_120] : memref<25600xi32, #tpu.memory_space<vmem>> -> memref<104xi32, #tpu.memory_space<vmem>>
        %dma_wait3A_122 = arith.constant 0 : i32
        %dma_wait3A_123 = arith.constant 0 : i32
        %dma_wait3A_124 = tpu.memref_slice %arg3[%dma_wait3A_122, %dma_wait3A_123] : memref<100000x128xf32, #tpu.memory_space<hbm>> -> memref<100000x128xf32, #tpu.memory_space<hbm>>
        tpu.wait_indirect_dma semaphore(%arg11 : memref<!tpu.dma_semaphore, #tpu.memory_space<semaphore_mem>>) src(%dma_wait3A_124 : memref<100000x128xf32, #tpu.memory_space<hbm>>) dst(%dma_wait3A_119 : memref<104x128xf32, #tpu.memory_space<vmem>>)
        %scan3A_125 = arith.constant 0 : i32
        %scan3A_126 = arith.constant 0 : i32
        %scan3A_127 = arith.constant 104 : i32
        %scan3A_128 = arith.addi %scan3A_126, %scan3A_127 : i32
        %scan3A_129 = arith.constant 1 : i32
        scf.for %scan3A_167 = %scan3A_126 to %scan3A_128 step %scan3A_129  : i32 {
          %get3A = arith.index_cast %scan3A_167 : i32 to index
          %get3A_168 = arith.constant 0 : index
          %get3A_169 = tpu.vector_load %arg7[%get3A, %get3A_168] {strides = array<i32>} : memref<200x128xf32, #tpu.memory_space<vmem>>, vector<1x16xf32>,
          %get3A_170 = vector.shape_cast %get3A_169 : vector<1x16xf32> to vector<16xf32>
          %get3A_171 = arith.index_cast %scan3A_167 : i32 to index
          %get3A_172 = arith.constant 0 : index
          %get3A_173 = tpu.vector_load %arg10[%get3A_171, %get3A_172] {strides = array<i32>} : memref<200x128xf32, #tpu.memory_space<vmem>>, vector<1x16xf32>,
          %get3A_174 = vector.shape_cast %get3A_173 : vector<1x16xf32> to vector<16xf32>
          %add3A_175 = arith.addf %get3A_170, %get3A_174 : vector<16xf32>
          %swap3A = arith.index_cast %scan3A_167 : i32 to index
          %swap3A_176 = arith.constant 0 : index
          %swap3A_177 = tpu.vector_load %arg7[%swap3A, %swap3A_176] {strides = array<i32>} : memref<200x128xf32, #tpu.memory_space<vmem>>, vector<1x16xf32>,
          %swap3A_178 = vector.shape_cast %swap3A_177 : vector<1x16xf32> to vector<16xf32>
          %swap3A_179 = vector.shape_cast %add3A_175 : vector<16xf32> to vector<1x16xf32>
          tpu.vector_store %arg7[%swap3A, %swap3A_176], %swap3A_179 {strides = array<i32>} : memref<200x128xf32, #tpu.memory_space<vmem>>, vector<1x16xf32>,
          %get3A_180 = arith.index_cast %scan3A_167 : i32 to index
          %get3A_181 = arith.constant 16 : index
          %get3A_182 = tpu.vector_load %arg7[%get3A_180, %get3A_181] {strides = array<i32>} : memref<200x128xf32, #tpu.memory_space<vmem>>, vector<1x16xf32>,
          %get3A_183 = vector.shape_cast %get3A_182 : vector<1x16xf32> to vector<16xf32>
          %get3A_184 = arith.index_cast %scan3A_167 : i32 to index
          %get3A_185 = arith.constant 16 : index
          %get3A_186 = tpu.vector_load %arg10[%get3A_184, %get3A_185] {strides = array<i32>} : memref<200x128xf32, #tpu.memory_space<vmem>>, vector<1x16xf32>,
          %get3A_187 = vector.shape_cast %get3A_186 : vector<1x16xf32> to vector<16xf32>
          %add3A_188 = arith.addf %get3A_183, %get3A_187 : vector<16xf32>
          %swap3A_189 = arith.index_cast %scan3A_167 : i32 to index
          %swap3A_190 = arith.constant 16 : index
          %swap3A_191 = tpu.vector_load %arg7[%swap3A_189, %swap3A_190] {strides = array<i32>} : memref<200x128xf32, #tpu.memory_space<vmem>>, vector<1x16xf32>,
          %swap3A_192 = vector.shape_cast %swap3A_191 : vector<1x16xf32> to vector<16xf32>
          %swap3A_193 = vector.shape_cast %add3A_188 : vector<16xf32> to vector<1x16xf32>
          tpu.vector_store %arg7[%swap3A_189, %swap3A_190], %swap3A_193 {strides = array<i32>} : memref<200x128xf32, #tpu.memory_space<vmem>>, vector<1x16xf32>,
          %get3A_194 = arith.index_cast %scan3A_167 : i32 to index
          %get3A_195 = arith.constant 32 : index
          %get3A_196 = tpu.vector_load %arg7[%get3A_194, %get3A_195] {strides = array<i32>} : memref<200x128xf32, #tpu.memory_space<vmem>>, vector<1x16xf32>,
          %get3A_197 = vector.shape_cast %get3A_196 : vector<1x16xf32> to vector<16xf32>
          %get3A_198 = arith.index_cast %scan3A_167 : i32 to index
          %get3A_199 = arith.constant 32 : index
          %get3A_200 = tpu.vector_load %arg10[%get3A_198, %get3A_199] {strides = array<i32>} : memref<200x128xf32, #tpu.memory_space<vmem>>, vector<1x16xf32>,
          %get3A_201 = vector.shape_cast %get3A_200 : vector<1x16xf32> to vector<16xf32>
          %add3A_202 = arith.addf %get3A_197, %get3A_201 : vector<16xf32>
          %swap3A_203 = arith.index_cast %scan3A_167 : i32 to index
          %swap3A_204 = arith.constant 32 : index
          %swap3A_205 = tpu.vector_load %arg7[%swap3A_203, %swap3A_204] {strides = array<i32>} : memref<200x128xf32, #tpu.memory_space<vmem>>, vector<1x16xf32>,
          %swap3A_206 = vector.shape_cast %swap3A_205 : vector<1x16xf32> to vector<16xf32>
          %swap3A_207 = vector.shape_cast %add3A_202 : vector<16xf32> to vector<1x16xf32>
          tpu.vector_store %arg7[%swap3A_203, %swap3A_204], %swap3A_207 {strides = array<i32>} : memref<200x128xf32, #tpu.memory_space<vmem>>, vector<1x16xf32>,
          %get3A_208 = arith.index_cast %scan3A_167 : i32 to index
          %get3A_209 = arith.constant 48 : index
          %get3A_210 = tpu.vector_load %arg7[%get3A_208, %get3A_209] {strides = array<i32>} : memref<200x128xf32, #tpu.memory_space<vmem>>, vector<1x16xf32>,
          %get3A_211 = vector.shape_cast %get3A_210 : vector<1x16xf32> to vector<16xf32>
          %get3A_212 = arith.index_cast %scan3A_167 : i32 to index
          %get3A_213 = arith.constant 48 : index
          %get3A_214 = tpu.vector_load %arg10[%get3A_212, %get3A_213] {strides = array<i32>} : memref<200x128xf32, #tpu.memory_space<vmem>>, vector<1x16xf32>,
          %get3A_215 = vector.shape_cast %get3A_214 : vector<1x16xf32> to vector<16xf32>
          %add3A_216 = arith.addf %get3A_211, %get3A_215 : vector<16xf32>
          %swap3A_217 = arith.index_cast %scan3A_167 : i32 to index
          %swap3A_218 = arith.constant 48 : index
          %swap3A_219 = tpu.vector_load %arg7[%swap3A_217, %swap3A_218] {strides = array<i32>} : memref<200x128xf32, #tpu.memory_space<vmem>>, vector<1x16xf32>,
          %swap3A_220 = vector.shape_cast %swap3A_219 : vector<1x16xf32> to vector<16xf32>
          %swap3A_221 = vector.shape_cast %add3A_216 : vector<16xf32> to vector<1x16xf32>
          tpu.vector_store %arg7[%swap3A_217, %swap3A_218], %swap3A_221 {strides = array<i32>} : memref<200x128xf32, #tpu.memory_space<vmem>>, vector<1x16xf32>,
          %get3A_222 = arith.index_cast %scan3A_167 : i32 to index
          %get3A_223 = arith.constant 64 : index
          %get3A_224 = tpu.vector_load %arg7[%get3A_222, %get3A_223] {strides = array<i32>} : memref<200x128xf32, #tpu.memory_space<vmem>>, vector<1x16xf32>,
          %get3A_225 = vector.shape_cast %get3A_224 : vector<1x16xf32> to vector<16xf32>
          %get3A_226 = arith.index_cast %scan3A_167 : i32 to index
          %get3A_227 = arith.constant 64 : index
          %get3A_228 = tpu.vector_load %arg10[%get3A_226, %get3A_227] {strides = array<i32>} : memref<200x128xf32, #tpu.memory_space<vmem>>, vector<1x16xf32>,
          %get3A_229 = vector.shape_cast %get3A_228 : vector<1x16xf32> to vector<16xf32>
          %add3A_230 = arith.addf %get3A_225, %get3A_229 : vector<16xf32>
          %swap3A_231 = arith.index_cast %scan3A_167 : i32 to index
          %swap3A_232 = arith.constant 64 : index
          %swap3A_233 = tpu.vector_load %arg7[%swap3A_231, %swap3A_232] {strides = array<i32>} : memref<200x128xf32, #tpu.memory_space<vmem>>, vector<1x16xf32>,
          %swap3A_234 = vector.shape_cast %swap3A_233 : vector<1x16xf32> to vector<16xf32>
          %swap3A_235 = vector.shape_cast %add3A_230 : vector<16xf32> to vector<1x16xf32>
          tpu.vector_store %arg7[%swap3A_231, %swap3A_232], %swap3A_235 {strides = array<i32>} : memref<200x128xf32, #tpu.memory_space<vmem>>, vector<1x16xf32>,
          %get3A_236 = arith.index_cast %scan3A_167 : i32 to index
          %get3A_237 = arith.constant 80 : index
          %get3A_238 = tpu.vector_load %arg7[%get3A_236, %get3A_237] {strides = array<i32>} : memref<200x128xf32, #tpu.memory_space<vmem>>, vector<1x16xf32>,
          %get3A_239 = vector.shape_cast %get3A_238 : vector<1x16xf32> to vector<16xf32>
          %get3A_240 = arith.index_cast %scan3A_167 : i32 to index
          %get3A_241 = arith.constant 80 : index
          %get3A_242 = tpu.vector_load %arg10[%get3A_240, %get3A_241] {strides = array<i32>} : memref<200x128xf32, #tpu.memory_space<vmem>>, vector<1x16xf32>,
          %get3A_243 = vector.shape_cast %get3A_242 : vector<1x16xf32> to vector<16xf32>
          %add3A_244 = arith.addf %get3A_239, %get3A_243 : vector<16xf32>
          %swap3A_245 = arith.index_cast %scan3A_167 : i32 to index
          %swap3A_246 = arith.constant 80 : index
          %swap3A_247 = tpu.vector_load %arg7[%swap3A_245, %swap3A_246] {strides = array<i32>} : memref<200x128xf32, #tpu.memory_space<vmem>>, vector<1x16xf32>,
          %swap3A_248 = vector.shape_cast %swap3A_247 : vector<1x16xf32> to vector<16xf32>
          %swap3A_249 = vector.shape_cast %add3A_244 : vector<16xf32> to vector<1x16xf32>
          tpu.vector_store %arg7[%swap3A_245, %swap3A_246], %swap3A_249 {strides = array<i32>} : memref<200x128xf32, #tpu.memory_space<vmem>>, vector<1x16xf32>,
          %get3A_250 = arith.index_cast %scan3A_167 : i32 to index
          %get3A_251 = arith.constant 96 : index
          %get3A_252 = tpu.vector_load %arg7[%get3A_250, %get3A_251] {strides = array<i32>} : memref<200x128xf32, #tpu.memory_space<vmem>>, vector<1x16xf32>,
          %get3A_253 = vector.shape_cast %get3A_252 : vector<1x16xf32> to vector<16xf32>
          %get3A_254 = arith.index_cast %scan3A_167 : i32 to index
          %get3A_255 = arith.constant 96 : index
          %get3A_256 = tpu.vector_load %arg10[%get3A_254, %get3A_255] {strides = array<i32>} : memref<200x128xf32, #tpu.memory_space<vmem>>, vector<1x16xf32>,
          %get3A_257 = vector.shape_cast %get3A_256 : vector<1x16xf32> to vector<16xf32>
          %add3A_258 = arith.addf %get3A_253, %get3A_257 : vector<16xf32>
          %swap3A_259 = arith.index_cast %scan3A_167 : i32 to index
          %swap3A_260 = arith.constant 96 : index
          %swap3A_261 = tpu.vector_load %arg7[%swap3A_259, %swap3A_260] {strides = array<i32>} : memref<200x128xf32, #tpu.memory_space<vmem>>, vector<1x16xf32>,
          %swap3A_262 = vector.shape_cast %swap3A_261 : vector<1x16xf32> to vector<16xf32>
          %swap3A_263 = vector.shape_cast %add3A_258 : vector<16xf32> to vector<1x16xf32>
          tpu.vector_store %arg7[%swap3A_259, %swap3A_260], %swap3A_263 {strides = array<i32>} : memref<200x128xf32, #tpu.memory_space<vmem>>, vector<1x16xf32>,
          %get3A_264 = arith.index_cast %scan3A_167 : i32 to index
          %get3A_265 = arith.constant 112 : index
          %get3A_266 = tpu.vector_load %arg7[%get3A_264, %get3A_265] {strides = array<i32>} : memref<200x128xf32, #tpu.memory_space<vmem>>, vector<1x16xf32>,
          %get3A_267 = vector.shape_cast %get3A_266 : vector<1x16xf32> to vector<16xf32>
          %get3A_268 = arith.index_cast %scan3A_167 : i32 to index
          %get3A_269 = arith.constant 112 : index
          %get3A_270 = tpu.vector_load %arg10[%get3A_268, %get3A_269] {strides = array<i32>} : memref<200x128xf32, #tpu.memory_space<vmem>>, vector<1x16xf32>,
          %get3A_271 = vector.shape_cast %get3A_270 : vector<1x16xf32> to vector<16xf32>
          %add3A_272 = arith.addf %get3A_267, %get3A_271 : vector<16xf32>
          %swap3A_273 = arith.index_cast %scan3A_167 : i32 to index
          %swap3A_274 = arith.constant 112 : index
          %swap3A_275 = tpu.vector_load %arg7[%swap3A_273, %swap3A_274] {strides = array<i32>} : memref<200x128xf32, #tpu.memory_space<vmem>>, vector<1x16xf32>,
          %swap3A_276 = vector.shape_cast %swap3A_275 : vector<1x16xf32> to vector<16xf32>
          %swap3A_277 = vector.shape_cast %add3A_272 : vector<16xf32> to vector<1x16xf32>
          tpu.vector_store %arg7[%swap3A_273, %swap3A_274], %swap3A_277 {strides = array<i32>} : memref<200x128xf32, #tpu.memory_space<vmem>>, vector<1x16xf32>,
        }
        %scan3A_130 = arith.constant 104 : i32
        %dma_start3A_131 = arith.constant 0 : i32
        %dma_start3A_132 = arith.constant 0 : i32
        %dma_start3A_133 = tpu.memref_slice %arg7[%dma_start3A_131, %dma_start3A_132] : memref<200x128xf32, #tpu.memory_space<vmem>> -> memref<104x128xf32, #tpu.memory_space<vmem>>
        %dma_start3A_134 = arith.constant 0 : i32
        %dma_start3A_135 = tpu.memref_slice %arg5[%add3A_116, %dma_start3A_134] : memref<819200x128xf32, #tpu.memory_space<hbm>> -> memref<104x128xf32, #tpu.memory_space<hbm>>
        %dma_start3A_136 = arith.constant 0 : i32
        %dma_start3A_137 = tpu.memref_slice %arg5[%add3A_116, %dma_start3A_136] : memref<819200x128xf32, #tpu.memory_space<hbm>> -> memref<104x128xf32, #tpu.memory_space<hbm>>
        %dma_start3A_138 = arith.constant 0 : i32
        %dma_start3A_139 = arith.constant 0 : i32
        %dma_start3A_140 = tpu.memref_slice %arg7[%dma_start3A_138, %dma_start3A_139] : memref<200x128xf32, #tpu.memory_space<vmem>> -> memref<104x128xf32, #tpu.memory_space<vmem>>
        tpu.enqueue_dma source(%dma_start3A_140 : memref<104x128xf32, #tpu.memory_space<vmem>>) target(%dma_start3A_137 : memref<104x128xf32, #tpu.memory_space<hbm>>) target_semaphore(%arg17 : memref<!tpu.dma_semaphore, #tpu.memory_space<semaphore_mem>>)
        %dma_wait3A_141 = arith.constant 104 : i32
        %dma_wait3A_142 = arith.constant 0 : i32
        %dma_wait3A_143 = tpu.memref_slice %arg7[%dma_wait3A_141, %dma_wait3A_142] : memref<200x128xf32, #tpu.memory_space<vmem>> -> memref<96x128xf32, #tpu.memory_space<vmem>>
        %dma_wait3A_144 = arith.constant 104 : i32
        %dma_wait3A_145 = tpu.memref_slice %arg6[%dma_wait3A_144] : memref<25600xi32, #tpu.memory_space<vmem>> -> memref<96xi32, #tpu.memory_space<vmem>>
        %dma_wait3A_146 = arith.constant 0 : i32
        %dma_wait3A_147 = arith.constant 0 : i32
        %dma_wait3A_148 = tpu.memref_slice %arg3[%dma_wait3A_146, %dma_wait3A_147] : memref<100000x128xf32, #tpu.memory_space<hbm>> -> memref<100000x128xf32, #tpu.memory_space<hbm>>
        tpu.wait_indirect_dma semaphore(%arg14 : memref<!tpu.dma_semaphore, #tpu.memory_space<semaphore_mem>>) src(%dma_wait3A_148 : memref<100000x128xf32, #tpu.memory_space<hbm>>) dst(%dma_wait3A_143 : memref<96x128xf32, #tpu.memory_space<vmem>>)
        %scan3A_149 = arith.constant 0 : i32
        %scan3A_150 = arith.constant 104 : i32
        %scan3A_151 = arith.constant 96 : i32
        %scan3A_152 = arith.addi %scan3A_150, %scan3A_151 : i32
        %scan3A_153 = arith.constant 1 : i32
        scf.for %scan3A_167 = %scan3A_150 to %scan3A_152 step %scan3A_153  : i32 {
          %get3A = arith.index_cast %scan3A_167 : i32 to index
          %get3A_168 = arith.constant 0 : index
          %get3A_169 = tpu.vector_load %arg7[%get3A, %get3A_168] {strides = array<i32>} : memref<200x128xf32, #tpu.memory_space<vmem>>, vector<1x16xf32>,
          %get3A_170 = vector.shape_cast %get3A_169 : vector<1x16xf32> to vector<16xf32>
          %get3A_171 = arith.index_cast %scan3A_167 : i32 to index
          %get3A_172 = arith.constant 0 : index
          %get3A_173 = tpu.vector_load %arg10[%get3A_171, %get3A_172] {strides = array<i32>} : memref<200x128xf32, #tpu.memory_space<vmem>>, vector<1x16xf32>,
          %get3A_174 = vector.shape_cast %get3A_173 : vector<1x16xf32> to vector<16xf32>
          %add3A_175 = arith.addf %get3A_170, %get3A_174 : vector<16xf32>
          %swap3A = arith.index_cast %scan3A_167 : i32 to index
          %swap3A_176 = arith.constant 0 : index
          %swap3A_177 = tpu.vector_load %arg7[%swap3A, %swap3A_176] {strides = array<i32>} : memref<200x128xf32, #tpu.memory_space<vmem>>, vector<1x16xf32>,
          %swap3A_178 = vector.shape_cast %swap3A_177 : vector<1x16xf32> to vector<16xf32>
          %swap3A_179 = vector.shape_cast %add3A_175 : vector<16xf32> to vector<1x16xf32>
          tpu.vector_store %arg7[%swap3A, %swap3A_176], %swap3A_179 {strides = array<i32>} : memref<200x128xf32, #tpu.memory_space<vmem>>, vector<1x16xf32>,
          %get3A_180 = arith.index_cast %scan3A_167 : i32 to index
          %get3A_181 = arith.constant 16 : index
          %get3A_182 = tpu.vector_load %arg7[%get3A_180, %get3A_181] {strides = array<i32>} : memref<200x128xf32, #tpu.memory_space<vmem>>, vector<1x16xf32>,
          %get3A_183 = vector.shape_cast %get3A_182 : vector<1x16xf32> to vector<16xf32>
          %get3A_184 = arith.index_cast %scan3A_167 : i32 to index
          %get3A_185 = arith.constant 16 : index
          %get3A_186 = tpu.vector_load %arg10[%get3A_184, %get3A_185] {strides = array<i32>} : memref<200x128xf32, #tpu.memory_space<vmem>>, vector<1x16xf32>,
          %get3A_187 = vector.shape_cast %get3A_186 : vector<1x16xf32> to vector<16xf32>
          %add3A_188 = arith.addf %get3A_183, %get3A_187 : vector<16xf32>
          %swap3A_189 = arith.index_cast %scan3A_167 : i32 to index
          %swap3A_190 = arith.constant 16 : index
          %swap3A_191 = tpu.vector_load %arg7[%swap3A_189, %swap3A_190] {strides = array<i32>} : memref<200x128xf32, #tpu.memory_space<vmem>>, vector<1x16xf32>,
          %swap3A_192 = vector.shape_cast %swap3A_191 : vector<1x16xf32> to vector<16xf32>
          %swap3A_193 = vector.shape_cast %add3A_188 : vector<16xf32> to vector<1x16xf32>
          tpu.vector_store %arg7[%swap3A_189, %swap3A_190], %swap3A_193 {strides = array<i32>} : memref<200x128xf32, #tpu.memory_space<vmem>>, vector<1x16xf32>,
          %get3A_194 = arith.index_cast %scan3A_167 : i32 to index
          %get3A_195 = arith.constant 32 : index
          %get3A_196 = tpu.vector_load %arg7[%get3A_194, %get3A_195] {strides = array<i32>} : memref<200x128xf32, #tpu.memory_space<vmem>>, vector<1x16xf32>,
          %get3A_197 = vector.shape_cast %get3A_196 : vector<1x16xf32> to vector<16xf32>
          %get3A_198 = arith.index_cast %scan3A_167 : i32 to index
          %get3A_199 = arith.constant 32 : index
          %get3A_200 = tpu.vector_load %arg10[%get3A_198, %get3A_199] {strides = array<i32>} : memref<200x128xf32, #tpu.memory_space<vmem>>, vector<1x16xf32>,
          %get3A_201 = vector.shape_cast %get3A_200 : vector<1x16xf32> to vector<16xf32>
          %add3A_202 = arith.addf %get3A_197, %get3A_201 : vector<16xf32>
          %swap3A_203 = arith.index_cast %scan3A_167 : i32 to index
          %swap3A_204 = arith.constant 32 : index
          %swap3A_205 = tpu.vector_load %arg7[%swap3A_203, %swap3A_204] {strides = array<i32>} : memref<200x128xf32, #tpu.memory_space<vmem>>, vector<1x16xf32>,
          %swap3A_206 = vector.shape_cast %swap3A_205 : vector<1x16xf32> to vector<16xf32>
          %swap3A_207 = vector.shape_cast %add3A_202 : vector<16xf32> to vector<1x16xf32>
          tpu.vector_store %arg7[%swap3A_203, %swap3A_204], %swap3A_207 {strides = array<i32>} : memref<200x128xf32, #tpu.memory_space<vmem>>, vector<1x16xf32>,
          %get3A_208 = arith.index_cast %scan3A_167 : i32 to index
          %get3A_209 = arith.constant 48 : index
          %get3A_210 = tpu.vector_load %arg7[%get3A_208, %get3A_209] {strides = array<i32>} : memref<200x128xf32, #tpu.memory_space<vmem>>, vector<1x16xf32>,
          %get3A_211 = vector.shape_cast %get3A_210 : vector<1x16xf32> to vector<16xf32>
          %get3A_212 = arith.index_cast %scan3A_167 : i32 to index
          %get3A_213 = arith.constant 48 : index
          %get3A_214 = tpu.vector_load %arg10[%get3A_212, %get3A_213] {strides = array<i32>} : memref<200x128xf32, #tpu.memory_space<vmem>>, vector<1x16xf32>,
          %get3A_215 = vector.shape_cast %get3A_214 : vector<1x16xf32> to vector<16xf32>
          %add3A_216 = arith.addf %get3A_211, %get3A_215 : vector<16xf32>
          %swap3A_217 = arith.index_cast %scan3A_167 : i32 to index
          %swap3A_218 = arith.constant 48 : index
          %swap3A_219 = tpu.vector_load %arg7[%swap3A_217, %swap3A_218] {strides = array<i32>} : memref<200x128xf32, #tpu.memory_space<vmem>>, vector<1x16xf32>,
          %swap3A_220 = vector.shape_cast %swap3A_219 : vector<1x16xf32> to vector<16xf32>
          %swap3A_221 = vector.shape_cast %add3A_216 : vector<16xf32> to vector<1x16xf32>
          tpu.vector_store %arg7[%swap3A_217, %swap3A_218], %swap3A_221 {strides = array<i32>} : memref<200x128xf32, #tpu.memory_space<vmem>>, vector<1x16xf32>,
          %get3A_222 = arith.index_cast %scan3A_167 : i32 to index
          %get3A_223 = arith.constant 64 : index
          %get3A_224 = tpu.vector_load %arg7[%get3A_222, %get3A_223] {strides = array<i32>} : memref<200x128xf32, #tpu.memory_space<vmem>>, vector<1x16xf32>,
          %get3A_225 = vector.shape_cast %get3A_224 : vector<1x16xf32> to vector<16xf32>
          %get3A_226 = arith.index_cast %scan3A_167 : i32 to index
          %get3A_227 = arith.constant 64 : index
          %get3A_228 = tpu.vector_load %arg10[%get3A_226, %get3A_227] {strides = array<i32>} : memref<200x128xf32, #tpu.memory_space<vmem>>, vector<1x16xf32>,
          %get3A_229 = vector.shape_cast %get3A_228 : vector<1x16xf32> to vector<16xf32>
          %add3A_230 = arith.addf %get3A_225, %get3A_229 : vector<16xf32>
          %swap3A_231 = arith.index_cast %scan3A_167 : i32 to index
          %swap3A_232 = arith.constant 64 : index
          %swap3A_233 = tpu.vector_load %arg7[%swap3A_231, %swap3A_232] {strides = array<i32>} : memref<200x128xf32, #tpu.memory_space<vmem>>, vector<1x16xf32>,
          %swap3A_234 = vector.shape_cast %swap3A_233 : vector<1x16xf32> to vector<16xf32>
          %swap3A_235 = vector.shape_cast %add3A_230 : vector<16xf32> to vector<1x16xf32>
          tpu.vector_store %arg7[%swap3A_231, %swap3A_232], %swap3A_235 {strides = array<i32>} : memref<200x128xf32, #tpu.memory_space<vmem>>, vector<1x16xf32>,
          %get3A_236 = arith.index_cast %scan3A_167 : i32 to index
          %get3A_237 = arith.constant 80 : index
          %get3A_238 = tpu.vector_load %arg7[%get3A_236, %get3A_237] {strides = array<i32>} : memref<200x128xf32, #tpu.memory_space<vmem>>, vector<1x16xf32>,
          %get3A_239 = vector.shape_cast %get3A_238 : vector<1x16xf32> to vector<16xf32>
          %get3A_240 = arith.index_cast %scan3A_167 : i32 to index
          %get3A_241 = arith.constant 80 : index
          %get3A_242 = tpu.vector_load %arg10[%get3A_240, %get3A_241] {strides = array<i32>} : memref<200x128xf32, #tpu.memory_space<vmem>>, vector<1x16xf32>,
          %get3A_243 = vector.shape_cast %get3A_242 : vector<1x16xf32> to vector<16xf32>
          %add3A_244 = arith.addf %get3A_239, %get3A_243 : vector<16xf32>
          %swap3A_245 = arith.index_cast %scan3A_167 : i32 to index
          %swap3A_246 = arith.constant 80 : index
          %swap3A_247 = tpu.vector_load %arg7[%swap3A_245, %swap3A_246] {strides = array<i32>} : memref<200x128xf32, #tpu.memory_space<vmem>>, vector<1x16xf32>,
          %swap3A_248 = vector.shape_cast %swap3A_247 : vector<1x16xf32> to vector<16xf32>
          %swap3A_249 = vector.shape_cast %add3A_244 : vector<16xf32> to vector<1x16xf32>
          tpu.vector_store %arg7[%swap3A_245, %swap3A_246], %swap3A_249 {strides = array<i32>} : memref<200x128xf32, #tpu.memory_space<vmem>>, vector<1x16xf32>,
          %get3A_250 = arith.index_cast %scan3A_167 : i32 to index
          %get3A_251 = arith.constant 96 : index
          %get3A_252 = tpu.vector_load %arg7[%get3A_250, %get3A_251] {strides = array<i32>} : memref<200x128xf32, #tpu.memory_space<vmem>>, vector<1x16xf32>,
          %get3A_253 = vector.shape_cast %get3A_252 : vector<1x16xf32> to vector<16xf32>
          %get3A_254 = arith.index_cast %scan3A_167 : i32 to index
          %get3A_255 = arith.constant 96 : index
          %get3A_256 = tpu.vector_load %arg10[%get3A_254, %get3A_255] {strides = array<i32>} : memref<200x128xf32, #tpu.memory_space<vmem>>, vector<1x16xf32>,
          %get3A_257 = vector.shape_cast %get3A_256 : vector<1x16xf32> to vector<16xf32>
          %add3A_258 = arith.addf %get3A_253, %get3A_257 : vector<16xf32>
          %swap3A_259 = arith.index_cast %scan3A_167 : i32 to index
          %swap3A_260 = arith.constant 96 : index
          %swap3A_261 = tpu.vector_load %arg7[%swap3A_259, %swap3A_260] {strides = array<i32>} : memref<200x128xf32, #tpu.memory_space<vmem>>, vector<1x16xf32>,
          %swap3A_262 = vector.shape_cast %swap3A_261 : vector<1x16xf32> to vector<16xf32>
          %swap3A_263 = vector.shape_cast %add3A_258 : vector<16xf32> to vector<1x16xf32>
          tpu.vector_store %arg7[%swap3A_259, %swap3A_260], %swap3A_263 {strides = array<i32>} : memref<200x128xf32, #tpu.memory_space<vmem>>, vector<1x16xf32>,
          %get3A_264 = arith.index_cast %scan3A_167 : i32 to index
          %get3A_265 = arith.constant 112 : index
          %get3A_266 = tpu.vector_load %arg7[%get3A_264, %get3A_265] {strides = array<i32>} : memref<200x128xf32, #tpu.memory_space<vmem>>, vector<1x16xf32>,
          %get3A_267 = vector.shape_cast %get3A_266 : vector<1x16xf32> to vector<16xf32>
          %get3A_268 = arith.index_cast %scan3A_167 : i32 to index
          %get3A_269 = arith.constant 112 : index
          %get3A_270 = tpu.vector_load %arg10[%get3A_268, %get3A_269] {strides = array<i32>} : memref<200x128xf32, #tpu.memory_space<vmem>>, vector<1x16xf32>,
          %get3A_271 = vector.shape_cast %get3A_270 : vector<1x16xf32> to vector<16xf32>
          %add3A_272 = arith.addf %get3A_267, %get3A_271 : vector<16xf32>
          %swap3A_273 = arith.index_cast %scan3A_167 : i32 to index
          %swap3A_274 = arith.constant 112 : index
          %swap3A_275 = tpu.vector_load %arg7[%swap3A_273, %swap3A_274] {strides = array<i32>} : memref<200x128xf32, #tpu.memory_space<vmem>>, vector<1x16xf32>,
          %swap3A_276 = vector.shape_cast %swap3A_275 : vector<1x16xf32> to vector<16xf32>
          %swap3A_277 = vector.shape_cast %add3A_272 : vector<16xf32> to vector<1x16xf32>
          tpu.vector_store %arg7[%swap3A_273, %swap3A_274], %swap3A_277 {strides = array<i32>} : memref<200x128xf32, #tpu.memory_space<vmem>>, vector<1x16xf32>,
        }
        %scan3A_154 = arith.constant 96 : i32
        %add3A_155 = arith.constant 104 : i32
        %add3A_156 = arith.addi %add3A_116, %add3A_155 : i32
        %dma_start3A_157 = arith.constant 104 : i32
        %dma_start3A_158 = arith.constant 0 : i32
        %dma_start3A_159 = tpu.memref_slice %arg7[%dma_start3A_157, %dma_start3A_158] : memref<200x128xf32, #tpu.memory_space<vmem>> -> memref<96x128xf32, #tpu.memory_space<vmem>>
        %dma_start3A_160 = arith.constant 0 : i32
        %dma_start3A_161 = tpu.memref_slice %arg5[%add3A_156, %dma_start3A_160] : memref<819200x128xf32, #tpu.memory_space<hbm>> -> memref<96x128xf32, #tpu.memory_space<hbm>>
        %dma_start3A_162 = arith.constant 0 : i32
        %dma_start3A_163 = tpu.memref_slice %arg5[%add3A_156, %dma_start3A_162] : memref<819200x128xf32, #tpu.memory_space<hbm>> -> memref<96x128xf32, #tpu.memory_space<hbm>>
        %dma_start3A_164 = arith.constant 104 : i32
        %dma_start3A_165 = arith.constant 0 : i32
        %dma_start3A_166 = tpu.memref_slice %arg7[%dma_start3A_164, %dma_start3A_165] : memref<200x128xf32, #tpu.memory_space<vmem>> -> memref<96x128xf32, #tpu.memory_space<vmem>>
        tpu.enqueue_dma source(%dma_start3A_166 : memref<96x128xf32, #tpu.memory_space<vmem>>) target(%dma_start3A_163 : memref<96x128xf32, #tpu.memory_space<hbm>>) target_semaphore(%arg17 : memref<!tpu.dma_semaphore, #tpu.memory_space<semaphore_mem>>)
      } else {
      }
      %mul3A_89 = arith.constant 3 : i32
      %mul3A_90 = arith.muli %scan3A_82, %mul3A_89 : i32
      %add3A_91 = arith.constant 1 : i32
      %add3A_92 = arith.addi %mul3A_90, %add3A_91 : i32
      %lt3A_93 = arith.constant 128 : i32
      %lt3A_94 = arith.cmpi slt, %add3A_92, %lt3A_93 : i32
      %convert_element_type3A_95 = arith.extui %lt3A_94 : i1 to i32
      %cond3A_96 = arith.constant 0 : i32
      %cond3A_97 = arith.cmpi ne, %convert_element_type3A_95, %cond3A_96 : i32
      scf.if %cond3A_97 {
        %add3A_107 = arith.constant 1 : i32
        %add3A_108 = arith.addi %add3A_92, %add3A_107 : i32
        %lt3A_109 = arith.constant 128 : i32
        %lt3A_110 = arith.cmpi slt, %add3A_108, %lt3A_109 : i32
        %convert_element_type3A_111 = arith.extui %lt3A_110 : i1 to i32
        %cond3A_112 = arith.constant 0 : i32
        %cond3A_113 = arith.cmpi ne, %convert_element_type3A_111, %cond3A_112 : i32
        scf.if %cond3A_113 {
          %add3A_167 = arith.constant 1 : i32
          %add3A_168 = arith.addi %add3A_92, %add3A_167 : i32
          %ge3A = arith.constant 3 : i32
          %ge3A_169 = arith.cmpi sge, %add3A_168, %ge3A : i32
          %convert_element_type3A_170 = arith.extui %ge3A_169 : i1 to i32
          %cond3A_171 = arith.constant 0 : i32
          %cond3A_172 = arith.cmpi ne, %convert_element_type3A_170, %cond3A_171 : i32
          scf.if %cond3A_172 {
            %dma_wait3A_193 = arith.constant 0 : i32
            %dma_wait3A_194 = arith.constant 0 : i32
            %dma_wait3A_195 = tpu.memref_slice %arg9[%dma_wait3A_193, %dma_wait3A_194] : memref<200x128xf32, #tpu.memory_space<vmem>> -> memref<104x128xf32, #tpu.memory_space<vmem>>
            %dma_wait3A_196 = arith.constant 0 : i32
            %dma_wait3A_197 = tpu.memref_slice %arg5[%mul3A_2, %dma_wait3A_196] : memref<819200x128xf32, #tpu.memory_space<hbm>> -> memref<104x128xf32, #tpu.memory_space<hbm>>
            %dma_wait3A_198 = arith.constant 0 : i32
            %dma_wait3A_199 = tpu.memref_slice %arg5[%mul3A_2, %dma_wait3A_198] : memref<819200x128xf32, #tpu.memory_space<hbm>> -> memref<104x128xf32, #tpu.memory_space<hbm>>
            %dma_wait3A_200 = arith.constant 0 : i32
            %dma_wait3A_201 = arith.constant 0 : i32
            %dma_wait3A_202 = tpu.memref_slice %arg9[%dma_wait3A_200, %dma_wait3A_201] : memref<200x128xf32, #tpu.memory_space<vmem>> -> memref<104x128xf32, #tpu.memory_space<vmem>>
            tpu.wait_dma2 semaphore(%arg19 : memref<!tpu.dma_semaphore, #tpu.memory_space<semaphore_mem>>) src(%dma_wait3A_202 : memref<104x128xf32, #tpu.memory_space<vmem>>) dst(%dma_wait3A_199 : memref<104x128xf32, #tpu.memory_space<hbm>>)
            %dma_wait3A_203 = arith.constant 104 : i32
            %dma_wait3A_204 = arith.constant 0 : i32
            %dma_wait3A_205 = tpu.memref_slice %arg9[%dma_wait3A_203, %dma_wait3A_204] : memref<200x128xf32, #tpu.memory_space<vmem>> -> memref<96x128xf32, #tpu.memory_space<vmem>>
            %dma_wait3A_206 = arith.constant 0 : i32
            %dma_wait3A_207 = tpu.memref_slice %arg5[%mul3A_2, %dma_wait3A_206] : memref<819200x128xf32, #tpu.memory_space<hbm>> -> memref<96x128xf32, #tpu.memory_space<hbm>>
            %dma_wait3A_208 = arith.constant 0 : i32
            %dma_wait3A_209 = tpu.memref_slice %arg5[%mul3A_2, %dma_wait3A_208] : memref<819200x128xf32, #tpu.memory_space<hbm>> -> memref<96x128xf32, #tpu.memory_space<hbm>>
            %dma_wait3A_210 = arith.constant 104 : i32
            %dma_wait3A_211 = arith.constant 0 : i32
            %dma_wait3A_212 = tpu.memref_slice %arg9[%dma_wait3A_210, %dma_wait3A_211] : memref<200x128xf32, #tpu.memory_space<vmem>> -> memref<96x128xf32, #tpu.memory_space<vmem>>
            tpu.wait_dma2 semaphore(%arg19 : memref<!tpu.dma_semaphore, #tpu.memory_space<semaphore_mem>>) src(%dma_wait3A_212 : memref<96x128xf32, #tpu.memory_space<vmem>>) dst(%dma_wait3A_209 : memref<96x128xf32, #tpu.memory_space<hbm>>)
          } else {
          }
          %add3A_173 = arith.constant 1 : i32
          %add3A_174 = arith.addi %add3A_92, %add3A_173 : i32
          %mul3A_175 = arith.constant 200 : i32
          %mul3A_176 = arith.muli %add3A_174, %mul3A_175 : i32
          %dma_start3A_177 = arith.constant 0 : i32
          %dma_start3A_178 = arith.constant 0 : i32
          %dma_start3A_179 = tpu.memref_slice %arg9[%dma_start3A_177, %dma_start3A_178] : memref<200x128xf32, #tpu.memory_space<vmem>> -> memref<104x128xf32, #tpu.memory_space<vmem>>
          %dma_start3A_180 = tpu.memref_slice %arg6[%mul3A_176] : memref<25600xi32, #tpu.memory_space<vmem>> -> memref<104xi32, #tpu.memory_space<vmem>>
          %dma_start3A_181 = arith.constant 0 : i32
          %dma_start3A_182 = arith.constant 0 : i32
          %dma_start3A_183 = tpu.memref_slice %arg3[%dma_start3A_181, %dma_start3A_182] : memref<100000x128xf32, #tpu.memory_space<hbm>> -> memref<100000x128xf32, #tpu.memory_space<hbm>>
          tpu.enqueue_indirect_dma source(%dma_start3A_183 : memref<100000x128xf32, #tpu.memory_space<hbm>>) target(%dma_start3A_179 : memref<104x128xf32, #tpu.memory_space<vmem>>) offsets(%dma_start3A_180 : memref<104xi32, #tpu.memory_space<vmem>>) semaphore(%arg13 : memref<!tpu.dma_semaphore, #tpu.memory_space<semaphore_mem>>)
          %add3A_184 = arith.constant 104 : i32
          %add3A_185 = arith.addi %mul3A_176, %add3A_184 : i32
          %dma_start3A_186 = arith.constant 104 : i32
          %dma_start3A_187 = arith.constant 0 : i32
          %dma_start3A_188 = tpu.memref_slice %arg9[%dma_start3A_186, %dma_start3A_187] : memref<200x128xf32, #tpu.memory_space<vmem>> -> memref<96x128xf32, #tpu.memory_space<vmem>>
          %dma_start3A_189 = tpu.memref_slice %arg6[%add3A_185] : memref<25600xi32, #tpu.memory_space<vmem>> -> memref<96xi32, #tpu.memory_space<vmem>>
          %dma_start3A_190 = arith.constant 0 : i32
          %dma_start3A_191 = arith.constant 0 : i32
          %dma_start3A_192 = tpu.memref_slice %arg3[%dma_start3A_190, %dma_start3A_191] : memref<100000x128xf32, #tpu.memory_space<hbm>> -> memref<100000x128xf32, #tpu.memory_space<hbm>>
          tpu.enqueue_indirect_dma source(%dma_start3A_192 : memref<100000x128xf32, #tpu.memory_space<hbm>>) target(%dma_start3A_188 : memref<96x128xf32, #tpu.memory_space<vmem>>) offsets(%dma_start3A_189 : memref<96xi32, #tpu.memory_space<vmem>>) semaphore(%arg16 : memref<!tpu.dma_semaphore, #tpu.memory_space<semaphore_mem>>)
        } else {
        }
        %mul3A_114 = arith.constant 200 : i32
        %mul3A_115 = arith.muli %add3A_92, %mul3A_114 : i32
        %add3A_116 = arith.addi %mul3A_2, %mul3A_115 : i32
        %dma_wait3A_117 = arith.constant 0 : i32
        %dma_wait3A_118 = arith.constant 0 : i32
        %dma_wait3A_119 = tpu.memref_slice %arg8[%dma_wait3A_117, %dma_wait3A_118] : memref<200x128xf32, #tpu.memory_space<vmem>> -> memref<104x128xf32, #tpu.memory_space<vmem>>
        %dma_wait3A_120 = arith.constant 0 : i32
        %dma_wait3A_121 = tpu.memref_slice %arg6[%dma_wait3A_120] : memref<25600xi32, #tpu.memory_space<vmem>> -> memref<104xi32, #tpu.memory_space<vmem>>
        %dma_wait3A_122 = arith.constant 0 : i32
        %dma_wait3A_123 = arith.constant 0 : i32
        %dma_wait3A_124 = tpu.memref_slice %arg3[%dma_wait3A_122, %dma_wait3A_123] : memref<100000x128xf32, #tpu.memory_space<hbm>> -> memref<100000x128xf32, #tpu.memory_space<hbm>>
        tpu.wait_indirect_dma semaphore(%arg12 : memref<!tpu.dma_semaphore, #tpu.memory_space<semaphore_mem>>) src(%dma_wait3A_124 : memref<100000x128xf32, #tpu.memory_space<hbm>>) dst(%dma_wait3A_119 : memref<104x128xf32, #tpu.memory_space<vmem>>)
        %scan3A_125 = arith.constant 0 : i32
        %scan3A_126 = arith.constant 0 : i32
        %scan3A_127 = arith.constant 104 : i32
        %scan3A_128 = arith.addi %scan3A_126, %scan3A_127 : i32
        %scan3A_129 = arith.constant 1 : i32
        scf.for %scan3A_167 = %scan3A_126 to %scan3A_128 step %scan3A_129  : i32 {
          %get3A = arith.index_cast %scan3A_167 : i32 to index
          %get3A_168 = arith.constant 0 : index
          %get3A_169 = tpu.vector_load %arg8[%get3A, %get3A_168] {strides = array<i32>} : memref<200x128xf32, #tpu.memory_space<vmem>>, vector<1x16xf32>,
          %get3A_170 = vector.shape_cast %get3A_169 : vector<1x16xf32> to vector<16xf32>
          %get3A_171 = arith.index_cast %scan3A_167 : i32 to index
          %get3A_172 = arith.constant 0 : index
          %get3A_173 = tpu.vector_load %arg10[%get3A_171, %get3A_172] {strides = array<i32>} : memref<200x128xf32, #tpu.memory_space<vmem>>, vector<1x16xf32>,
          %get3A_174 = vector.shape_cast %get3A_173 : vector<1x16xf32> to vector<16xf32>
          %add3A_175 = arith.addf %get3A_170, %get3A_174 : vector<16xf32>
          %swap3A = arith.index_cast %scan3A_167 : i32 to index
          %swap3A_176 = arith.constant 0 : index
          %swap3A_177 = tpu.vector_load %arg8[%swap3A, %swap3A_176] {strides = array<i32>} : memref<200x128xf32, #tpu.memory_space<vmem>>, vector<1x16xf32>,
          %swap3A_178 = vector.shape_cast %swap3A_177 : vector<1x16xf32> to vector<16xf32>
          %swap3A_179 = vector.shape_cast %add3A_175 : vector<16xf32> to vector<1x16xf32>
          tpu.vector_store %arg8[%swap3A, %swap3A_176], %swap3A_179 {strides = array<i32>} : memref<200x128xf32, #tpu.memory_space<vmem>>, vector<1x16xf32>,
          %get3A_180 = arith.index_cast %scan3A_167 : i32 to index
          %get3A_181 = arith.constant 16 : index
          %get3A_182 = tpu.vector_load %arg8[%get3A_180, %get3A_181] {strides = array<i32>} : memref<200x128xf32, #tpu.memory_space<vmem>>, vector<1x16xf32>,
          %get3A_183 = vector.shape_cast %get3A_182 : vector<1x16xf32> to vector<16xf32>
          %get3A_184 = arith.index_cast %scan3A_167 : i32 to index
          %get3A_185 = arith.constant 16 : index
          %get3A_186 = tpu.vector_load %arg10[%get3A_184, %get3A_185] {strides = array<i32>} : memref<200x128xf32, #tpu.memory_space<vmem>>, vector<1x16xf32>,
          %get3A_187 = vector.shape_cast %get3A_186 : vector<1x16xf32> to vector<16xf32>
          %add3A_188 = arith.addf %get3A_183, %get3A_187 : vector<16xf32>
          %swap3A_189 = arith.index_cast %scan3A_167 : i32 to index
          %swap3A_190 = arith.constant 16 : index
          %swap3A_191 = tpu.vector_load %arg8[%swap3A_189, %swap3A_190] {strides = array<i32>} : memref<200x128xf32, #tpu.memory_space<vmem>>, vector<1x16xf32>,
          %swap3A_192 = vector.shape_cast %swap3A_191 : vector<1x16xf32> to vector<16xf32>
          %swap3A_193 = vector.shape_cast %add3A_188 : vector<16xf32> to vector<1x16xf32>
          tpu.vector_store %arg8[%swap3A_189, %swap3A_190], %swap3A_193 {strides = array<i32>} : memref<200x128xf32, #tpu.memory_space<vmem>>, vector<1x16xf32>,
          %get3A_194 = arith.index_cast %scan3A_167 : i32 to index
          %get3A_195 = arith.constant 32 : index
          %get3A_196 = tpu.vector_load %arg8[%get3A_194, %get3A_195] {strides = array<i32>} : memref<200x128xf32, #tpu.memory_space<vmem>>, vector<1x16xf32>,
          %get3A_197 = vector.shape_cast %get3A_196 : vector<1x16xf32> to vector<16xf32>
          %get3A_198 = arith.index_cast %scan3A_167 : i32 to index
          %get3A_199 = arith.constant 32 : index
          %get3A_200 = tpu.vector_load %arg10[%get3A_198, %get3A_199] {strides = array<i32>} : memref<200x128xf32, #tpu.memory_space<vmem>>, vector<1x16xf32>,
          %get3A_201 = vector.shape_cast %get3A_200 : vector<1x16xf32> to vector<16xf32>
          %add3A_202 = arith.addf %get3A_197, %get3A_201 : vector<16xf32>
          %swap3A_203 = arith.index_cast %scan3A_167 : i32 to index
          %swap3A_204 = arith.constant 32 : index
          %swap3A_205 = tpu.vector_load %arg8[%swap3A_203, %swap3A_204] {strides = array<i32>} : memref<200x128xf32, #tpu.memory_space<vmem>>, vector<1x16xf32>,
          %swap3A_206 = vector.shape_cast %swap3A_205 : vector<1x16xf32> to vector<16xf32>
          %swap3A_207 = vector.shape_cast %add3A_202 : vector<16xf32> to vector<1x16xf32>
          tpu.vector_store %arg8[%swap3A_203, %swap3A_204], %swap3A_207 {strides = array<i32>} : memref<200x128xf32, #tpu.memory_space<vmem>>, vector<1x16xf32>,
          %get3A_208 = arith.index_cast %scan3A_167 : i32 to index
          %get3A_209 = arith.constant 48 : index
          %get3A_210 = tpu.vector_load %arg8[%get3A_208, %get3A_209] {strides = array<i32>} : memref<200x128xf32, #tpu.memory_space<vmem>>, vector<1x16xf32>,
          %get3A_211 = vector.shape_cast %get3A_210 : vector<1x16xf32> to vector<16xf32>
          %get3A_212 = arith.index_cast %scan3A_167 : i32 to index
          %get3A_213 = arith.constant 48 : index
          %get3A_214 = tpu.vector_load %arg10[%get3A_212, %get3A_213] {strides = array<i32>} : memref<200x128xf32, #tpu.memory_space<vmem>>, vector<1x16xf32>,
          %get3A_215 = vector.shape_cast %get3A_214 : vector<1x16xf32> to vector<16xf32>
          %add3A_216 = arith.addf %get3A_211, %get3A_215 : vector<16xf32>
          %swap3A_217 = arith.index_cast %scan3A_167 : i32 to index
          %swap3A_218 = arith.constant 48 : index
          %swap3A_219 = tpu.vector_load %arg8[%swap3A_217, %swap3A_218] {strides = array<i32>} : memref<200x128xf32, #tpu.memory_space<vmem>>, vector<1x16xf32>,
          %swap3A_220 = vector.shape_cast %swap3A_219 : vector<1x16xf32> to vector<16xf32>
          %swap3A_221 = vector.shape_cast %add3A_216 : vector<16xf32> to vector<1x16xf32>
          tpu.vector_store %arg8[%swap3A_217, %swap3A_218], %swap3A_221 {strides = array<i32>} : memref<200x128xf32, #tpu.memory_space<vmem>>, vector<1x16xf32>,
          %get3A_222 = arith.index_cast %scan3A_167 : i32 to index
          %get3A_223 = arith.constant 64 : index
          %get3A_224 = tpu.vector_load %arg8[%get3A_222, %get3A_223] {strides = array<i32>} : memref<200x128xf32, #tpu.memory_space<vmem>>, vector<1x16xf32>,
          %get3A_225 = vector.shape_cast %get3A_224 : vector<1x16xf32> to vector<16xf32>
          %get3A_226 = arith.index_cast %scan3A_167 : i32 to index
          %get3A_227 = arith.constant 64 : index
          %get3A_228 = tpu.vector_load %arg10[%get3A_226, %get3A_227] {strides = array<i32>} : memref<200x128xf32, #tpu.memory_space<vmem>>, vector<1x16xf32>,
          %get3A_229 = vector.shape_cast %get3A_228 : vector<1x16xf32> to vector<16xf32>
          %add3A_230 = arith.addf %get3A_225, %get3A_229 : vector<16xf32>
          %swap3A_231 = arith.index_cast %scan3A_167 : i32 to index
          %swap3A_232 = arith.constant 64 : index
          %swap3A_233 = tpu.vector_load %arg8[%swap3A_231, %swap3A_232] {strides = array<i32>} : memref<200x128xf32, #tpu.memory_space<vmem>>, vector<1x16xf32>,
          %swap3A_234 = vector.shape_cast %swap3A_233 : vector<1x16xf32> to vector<16xf32>
          %swap3A_235 = vector.shape_cast %add3A_230 : vector<16xf32> to vector<1x16xf32>
          tpu.vector_store %arg8[%swap3A_231, %swap3A_232], %swap3A_235 {strides = array<i32>} : memref<200x128xf32, #tpu.memory_space<vmem>>, vector<1x16xf32>,
          %get3A_236 = arith.index_cast %scan3A_167 : i32 to index
          %get3A_237 = arith.constant 80 : index
          %get3A_238 = tpu.vector_load %arg8[%get3A_236, %get3A_237] {strides = array<i32>} : memref<200x128xf32, #tpu.memory_space<vmem>>, vector<1x16xf32>,
          %get3A_239 = vector.shape_cast %get3A_238 : vector<1x16xf32> to vector<16xf32>
          %get3A_240 = arith.index_cast %scan3A_167 : i32 to index
          %get3A_241 = arith.constant 80 : index
          %get3A_242 = tpu.vector_load %arg10[%get3A_240, %get3A_241] {strides = array<i32>} : memref<200x128xf32, #tpu.memory_space<vmem>>, vector<1x16xf32>,
          %get3A_243 = vector.shape_cast %get3A_242 : vector<1x16xf32> to vector<16xf32>
          %add3A_244 = arith.addf %get3A_239, %get3A_243 : vector<16xf32>
          %swap3A_245 = arith.index_cast %scan3A_167 : i32 to index
          %swap3A_246 = arith.constant 80 : index
          %swap3A_247 = tpu.vector_load %arg8[%swap3A_245, %swap3A_246] {strides = array<i32>} : memref<200x128xf32, #tpu.memory_space<vmem>>, vector<1x16xf32>,
          %swap3A_248 = vector.shape_cast %swap3A_247 : vector<1x16xf32> to vector<16xf32>
          %swap3A_249 = vector.shape_cast %add3A_244 : vector<16xf32> to vector<1x16xf32>
          tpu.vector_store %arg8[%swap3A_245, %swap3A_246], %swap3A_249 {strides = array<i32>} : memref<200x128xf32, #tpu.memory_space<vmem>>, vector<1x16xf32>,
          %get3A_250 = arith.index_cast %scan3A_167 : i32 to index
          %get3A_251 = arith.constant 96 : index
          %get3A_252 = tpu.vector_load %arg8[%get3A_250, %get3A_251] {strides = array<i32>} : memref<200x128xf32, #tpu.memory_space<vmem>>, vector<1x16xf32>,
          %get3A_253 = vector.shape_cast %get3A_252 : vector<1x16xf32> to vector<16xf32>
          %get3A_254 = arith.index_cast %scan3A_167 : i32 to index
          %get3A_255 = arith.constant 96 : index
          %get3A_256 = tpu.vector_load %arg10[%get3A_254, %get3A_255] {strides = array<i32>} : memref<200x128xf32, #tpu.memory_space<vmem>>, vector<1x16xf32>,
          %get3A_257 = vector.shape_cast %get3A_256 : vector<1x16xf32> to vector<16xf32>
          %add3A_258 = arith.addf %get3A_253, %get3A_257 : vector<16xf32>
          %swap3A_259 = arith.index_cast %scan3A_167 : i32 to index
          %swap3A_260 = arith.constant 96 : index
          %swap3A_261 = tpu.vector_load %arg8[%swap3A_259, %swap3A_260] {strides = array<i32>} : memref<200x128xf32, #tpu.memory_space<vmem>>, vector<1x16xf32>,
          %swap3A_262 = vector.shape_cast %swap3A_261 : vector<1x16xf32> to vector<16xf32>
          %swap3A_263 = vector.shape_cast %add3A_258 : vector<16xf32> to vector<1x16xf32>
          tpu.vector_store %arg8[%swap3A_259, %swap3A_260], %swap3A_263 {strides = array<i32>} : memref<200x128xf32, #tpu.memory_space<vmem>>, vector<1x16xf32>,
          %get3A_264 = arith.index_cast %scan3A_167 : i32 to index
          %get3A_265 = arith.constant 112 : index
          %get3A_266 = tpu.vector_load %arg8[%get3A_264, %get3A_265] {strides = array<i32>} : memref<200x128xf32, #tpu.memory_space<vmem>>, vector<1x16xf32>,
          %get3A_267 = vector.shape_cast %get3A_266 : vector<1x16xf32> to vector<16xf32>
          %get3A_268 = arith.index_cast %scan3A_167 : i32 to index
          %get3A_269 = arith.constant 112 : index
          %get3A_270 = tpu.vector_load %arg10[%get3A_268, %get3A_269] {strides = array<i32>} : memref<200x128xf32, #tpu.memory_space<vmem>>, vector<1x16xf32>,
          %get3A_271 = vector.shape_cast %get3A_270 : vector<1x16xf32> to vector<16xf32>
          %add3A_272 = arith.addf %get3A_267, %get3A_271 : vector<16xf32>
          %swap3A_273 = arith.index_cast %scan3A_167 : i32 to index
          %swap3A_274 = arith.constant 112 : index
          %swap3A_275 = tpu.vector_load %arg8[%swap3A_273, %swap3A_274] {strides = array<i32>} : memref<200x128xf32, #tpu.memory_space<vmem>>, vector<1x16xf32>,
          %swap3A_276 = vector.shape_cast %swap3A_275 : vector<1x16xf32> to vector<16xf32>
          %swap3A_277 = vector.shape_cast %add3A_272 : vector<16xf32> to vector<1x16xf32>
          tpu.vector_store %arg8[%swap3A_273, %swap3A_274], %swap3A_277 {strides = array<i32>} : memref<200x128xf32, #tpu.memory_space<vmem>>, vector<1x16xf32>,
        }
        %scan3A_130 = arith.constant 104 : i32
        %dma_start3A_131 = arith.constant 0 : i32
        %dma_start3A_132 = arith.constant 0 : i32
        %dma_start3A_133 = tpu.memref_slice %arg8[%dma_start3A_131, %dma_start3A_132] : memref<200x128xf32, #tpu.memory_space<vmem>> -> memref<104x128xf32, #tpu.memory_space<vmem>>
        %dma_start3A_134 = arith.constant 0 : i32
        %dma_start3A_135 = tpu.memref_slice %arg5[%add3A_116, %dma_start3A_134] : memref<819200x128xf32, #tpu.memory_space<hbm>> -> memref<104x128xf32, #tpu.memory_space<hbm>>
        %dma_start3A_136 = arith.constant 0 : i32
        %dma_start3A_137 = tpu.memref_slice %arg5[%add3A_116, %dma_start3A_136] : memref<819200x128xf32, #tpu.memory_space<hbm>> -> memref<104x128xf32, #tpu.memory_space<hbm>>
        %dma_start3A_138 = arith.constant 0 : i32
        %dma_start3A_139 = arith.constant 0 : i32
        %dma_start3A_140 = tpu.memref_slice %arg8[%dma_start3A_138, %dma_start3A_139] : memref<200x128xf32, #tpu.memory_space<vmem>> -> memref<104x128xf32, #tpu.memory_space<vmem>>
        tpu.enqueue_dma source(%dma_start3A_140 : memref<104x128xf32, #tpu.memory_space<vmem>>) target(%dma_start3A_137 : memref<104x128xf32, #tpu.memory_space<hbm>>) target_semaphore(%arg18 : memref<!tpu.dma_semaphore, #tpu.memory_space<semaphore_mem>>)
        %dma_wait3A_141 = arith.constant 104 : i32
        %dma_wait3A_142 = arith.constant 0 : i32
        %dma_wait3A_143 = tpu.memref_slice %arg8[%dma_wait3A_141, %dma_wait3A_142] : memref<200x128xf32, #tpu.memory_space<vmem>> -> memref<96x128xf32, #tpu.memory_space<vmem>>
        %dma_wait3A_144 = arith.constant 104 : i32
        %dma_wait3A_145 = tpu.memref_slice %arg6[%dma_wait3A_144] : memref<25600xi32, #tpu.memory_space<vmem>> -> memref<96xi32, #tpu.memory_space<vmem>>
        %dma_wait3A_146 = arith.constant 0 : i32
        %dma_wait3A_147 = arith.constant 0 : i32
        %dma_wait3A_148 = tpu.memref_slice %arg3[%dma_wait3A_146, %dma_wait3A_147] : memref<100000x128xf32, #tpu.memory_space<hbm>> -> memref<100000x128xf32, #tpu.memory_space<hbm>>
        tpu.wait_indirect_dma semaphore(%arg15 : memref<!tpu.dma_semaphore, #tpu.memory_space<semaphore_mem>>) src(%dma_wait3A_148 : memref<100000x128xf32, #tpu.memory_space<hbm>>) dst(%dma_wait3A_143 : memref<96x128xf32, #tpu.memory_space<vmem>>)
        %scan3A_149 = arith.constant 0 : i32
        %scan3A_150 = arith.constant 104 : i32
        %scan3A_151 = arith.constant 96 : i32
        %scan3A_152 = arith.addi %scan3A_150, %scan3A_151 : i32
        %scan3A_153 = arith.constant 1 : i32
        scf.for %scan3A_167 = %scan3A_150 to %scan3A_152 step %scan3A_153  : i32 {
          %get3A = arith.index_cast %scan3A_167 : i32 to index
          %get3A_168 = arith.constant 0 : index
          %get3A_169 = tpu.vector_load %arg8[%get3A, %get3A_168] {strides = array<i32>} : memref<200x128xf32, #tpu.memory_space<vmem>>, vector<1x16xf32>,
          %get3A_170 = vector.shape_cast %get3A_169 : vector<1x16xf32> to vector<16xf32>
          %get3A_171 = arith.index_cast %scan3A_167 : i32 to index
          %get3A_172 = arith.constant 0 : index
          %get3A_173 = tpu.vector_load %arg10[%get3A_171, %get3A_172] {strides = array<i32>} : memref<200x128xf32, #tpu.memory_space<vmem>>, vector<1x16xf32>,
          %get3A_174 = vector.shape_cast %get3A_173 : vector<1x16xf32> to vector<16xf32>
          %add3A_175 = arith.addf %get3A_170, %get3A_174 : vector<16xf32>
          %swap3A = arith.index_cast %scan3A_167 : i32 to index
          %swap3A_176 = arith.constant 0 : index
          %swap3A_177 = tpu.vector_load %arg8[%swap3A, %swap3A_176] {strides = array<i32>} : memref<200x128xf32, #tpu.memory_space<vmem>>, vector<1x16xf32>,
          %swap3A_178 = vector.shape_cast %swap3A_177 : vector<1x16xf32> to vector<16xf32>
          %swap3A_179 = vector.shape_cast %add3A_175 : vector<16xf32> to vector<1x16xf32>
          tpu.vector_store %arg8[%swap3A, %swap3A_176], %swap3A_179 {strides = array<i32>} : memref<200x128xf32, #tpu.memory_space<vmem>>, vector<1x16xf32>,
          %get3A_180 = arith.index_cast %scan3A_167 : i32 to index
          %get3A_181 = arith.constant 16 : index
          %get3A_182 = tpu.vector_load %arg8[%get3A_180, %get3A_181] {strides = array<i32>} : memref<200x128xf32, #tpu.memory_space<vmem>>, vector<1x16xf32>,
          %get3A_183 = vector.shape_cast %get3A_182 : vector<1x16xf32> to vector<16xf32>
          %get3A_184 = arith.index_cast %scan3A_167 : i32 to index
          %get3A_185 = arith.constant 16 : index
          %get3A_186 = tpu.vector_load %arg10[%get3A_184, %get3A_185] {strides = array<i32>} : memref<200x128xf32, #tpu.memory_space<vmem>>, vector<1x16xf32>,
          %get3A_187 = vector.shape_cast %get3A_186 : vector<1x16xf32> to vector<16xf32>
          %add3A_188 = arith.addf %get3A_183, %get3A_187 : vector<16xf32>
          %swap3A_189 = arith.index_cast %scan3A_167 : i32 to index
          %swap3A_190 = arith.constant 16 : index
          %swap3A_191 = tpu.vector_load %arg8[%swap3A_189, %swap3A_190] {strides = array<i32>} : memref<200x128xf32, #tpu.memory_space<vmem>>, vector<1x16xf32>,
          %swap3A_192 = vector.shape_cast %swap3A_191 : vector<1x16xf32> to vector<16xf32>
          %swap3A_193 = vector.shape_cast %add3A_188 : vector<16xf32> to vector<1x16xf32>
          tpu.vector_store %arg8[%swap3A_189, %swap3A_190], %swap3A_193 {strides = array<i32>} : memref<200x128xf32, #tpu.memory_space<vmem>>, vector<1x16xf32>,
          %get3A_194 = arith.index_cast %scan3A_167 : i32 to index
          %get3A_195 = arith.constant 32 : index
          %get3A_196 = tpu.vector_load %arg8[%get3A_194, %get3A_195] {strides = array<i32>} : memref<200x128xf32, #tpu.memory_space<vmem>>, vector<1x16xf32>,
          %get3A_197 = vector.shape_cast %get3A_196 : vector<1x16xf32> to vector<16xf32>
          %get3A_198 = arith.index_cast %scan3A_167 : i32 to index
          %get3A_199 = arith.constant 32 : index
          %get3A_200 = tpu.vector_load %arg10[%get3A_198, %get3A_199] {strides = array<i32>} : memref<200x128xf32, #tpu.memory_space<vmem>>, vector<1x16xf32>,
          %get3A_201 = vector.shape_cast %get3A_200 : vector<1x16xf32> to vector<16xf32>
          %add3A_202 = arith.addf %get3A_197, %get3A_201 : vector<16xf32>
          %swap3A_203 = arith.index_cast %scan3A_167 : i32 to index
          %swap3A_204 = arith.constant 32 : index
          %swap3A_205 = tpu.vector_load %arg8[%swap3A_203, %swap3A_204] {strides = array<i32>} : memref<200x128xf32, #tpu.memory_space<vmem>>, vector<1x16xf32>,
          %swap3A_206 = vector.shape_cast %swap3A_205 : vector<1x16xf32> to vector<16xf32>
          %swap3A_207 = vector.shape_cast %add3A_202 : vector<16xf32> to vector<1x16xf32>
          tpu.vector_store %arg8[%swap3A_203, %swap3A_204], %swap3A_207 {strides = array<i32>} : memref<200x128xf32, #tpu.memory_space<vmem>>, vector<1x16xf32>,
          %get3A_208 = arith.index_cast %scan3A_167 : i32 to index
          %get3A_209 = arith.constant 48 : index
          %get3A_210 = tpu.vector_load %arg8[%get3A_208, %get3A_209] {strides = array<i32>} : memref<200x128xf32, #tpu.memory_space<vmem>>, vector<1x16xf32>,
          %get3A_211 = vector.shape_cast %get3A_210 : vector<1x16xf32> to vector<16xf32>
          %get3A_212 = arith.index_cast %scan3A_167 : i32 to index
          %get3A_213 = arith.constant 48 : index
          %get3A_214 = tpu.vector_load %arg10[%get3A_212, %get3A_213] {strides = array<i32>} : memref<200x128xf32, #tpu.memory_space<vmem>>, vector<1x16xf32>,
          %get3A_215 = vector.shape_cast %get3A_214 : vector<1x16xf32> to vector<16xf32>
          %add3A_216 = arith.addf %get3A_211, %get3A_215 : vector<16xf32>
          %swap3A_217 = arith.index_cast %scan3A_167 : i32 to index
          %swap3A_218 = arith.constant 48 : index
          %swap3A_219 = tpu.vector_load %arg8[%swap3A_217, %swap3A_218] {strides = array<i32>} : memref<200x128xf32, #tpu.memory_space<vmem>>, vector<1x16xf32>,
          %swap3A_220 = vector.shape_cast %swap3A_219 : vector<1x16xf32> to vector<16xf32>
          %swap3A_221 = vector.shape_cast %add3A_216 : vector<16xf32> to vector<1x16xf32>
          tpu.vector_store %arg8[%swap3A_217, %swap3A_218], %swap3A_221 {strides = array<i32>} : memref<200x128xf32, #tpu.memory_space<vmem>>, vector<1x16xf32>,
          %get3A_222 = arith.index_cast %scan3A_167 : i32 to index
          %get3A_223 = arith.constant 64 : index
          %get3A_224 = tpu.vector_load %arg8[%get3A_222, %get3A_223] {strides = array<i32>} : memref<200x128xf32, #tpu.memory_space<vmem>>, vector<1x16xf32>,
          %get3A_225 = vector.shape_cast %get3A_224 : vector<1x16xf32> to vector<16xf32>
          %get3A_226 = arith.index_cast %scan3A_167 : i32 to index
          %get3A_227 = arith.constant 64 : index
          %get3A_228 = tpu.vector_load %arg10[%get3A_226, %get3A_227] {strides = array<i32>} : memref<200x128xf32, #tpu.memory_space<vmem>>, vector<1x16xf32>,
          %get3A_229 = vector.shape_cast %get3A_228 : vector<1x16xf32> to vector<16xf32>
          %add3A_230 = arith.addf %get3A_225, %get3A_229 : vector<16xf32>
          %swap3A_231 = arith.index_cast %scan3A_167 : i32 to index
          %swap3A_232 = arith.constant 64 : index
          %swap3A_233 = tpu.vector_load %arg8[%swap3A_231, %swap3A_232] {strides = array<i32>} : memref<200x128xf32, #tpu.memory_space<vmem>>, vector<1x16xf32>,
          %swap3A_234 = vector.shape_cast %swap3A_233 : vector<1x16xf32> to vector<16xf32>
          %swap3A_235 = vector.shape_cast %add3A_230 : vector<16xf32> to vector<1x16xf32>
          tpu.vector_store %arg8[%swap3A_231, %swap3A_232], %swap3A_235 {strides = array<i32>} : memref<200x128xf32, #tpu.memory_space<vmem>>, vector<1x16xf32>,
          %get3A_236 = arith.index_cast %scan3A_167 : i32 to index
          %get3A_237 = arith.constant 80 : index
          %get3A_238 = tpu.vector_load %arg8[%get3A_236, %get3A_237] {strides = array<i32>} : memref<200x128xf32, #tpu.memory_space<vmem>>, vector<1x16xf32>,
          %get3A_239 = vector.shape_cast %get3A_238 : vector<1x16xf32> to vector<16xf32>
          %get3A_240 = arith.index_cast %scan3A_167 : i32 to index
          %get3A_241 = arith.constant 80 : index
          %get3A_242 = tpu.vector_load %arg10[%get3A_240, %get3A_241] {strides = array<i32>} : memref<200x128xf32, #tpu.memory_space<vmem>>, vector<1x16xf32>,
          %get3A_243 = vector.shape_cast %get3A_242 : vector<1x16xf32> to vector<16xf32>
          %add3A_244 = arith.addf %get3A_239, %get3A_243 : vector<16xf32>
          %swap3A_245 = arith.index_cast %scan3A_167 : i32 to index
          %swap3A_246 = arith.constant 80 : index
          %swap3A_247 = tpu.vector_load %arg8[%swap3A_245, %swap3A_246] {strides = array<i32>} : memref<200x128xf32, #tpu.memory_space<vmem>>, vector<1x16xf32>,
          %swap3A_248 = vector.shape_cast %swap3A_247 : vector<1x16xf32> to vector<16xf32>
          %swap3A_249 = vector.shape_cast %add3A_244 : vector<16xf32> to vector<1x16xf32>
          tpu.vector_store %arg8[%swap3A_245, %swap3A_246], %swap3A_249 {strides = array<i32>} : memref<200x128xf32, #tpu.memory_space<vmem>>, vector<1x16xf32>,
          %get3A_250 = arith.index_cast %scan3A_167 : i32 to index
          %get3A_251 = arith.constant 96 : index
          %get3A_252 = tpu.vector_load %arg8[%get3A_250, %get3A_251] {strides = array<i32>} : memref<200x128xf32, #tpu.memory_space<vmem>>, vector<1x16xf32>,
          %get3A_253 = vector.shape_cast %get3A_252 : vector<1x16xf32> to vector<16xf32>
          %get3A_254 = arith.index_cast %scan3A_167 : i32 to index
          %get3A_255 = arith.constant 96 : index
          %get3A_256 = tpu.vector_load %arg10[%get3A_254, %get3A_255] {strides = array<i32>} : memref<200x128xf32, #tpu.memory_space<vmem>>, vector<1x16xf32>,
          %get3A_257 = vector.shape_cast %get3A_256 : vector<1x16xf32> to vector<16xf32>
          %add3A_258 = arith.addf %get3A_253, %get3A_257 : vector<16xf32>
          %swap3A_259 = arith.index_cast %scan3A_167 : i32 to index
          %swap3A_260 = arith.constant 96 : index
          %swap3A_261 = tpu.vector_load %arg8[%swap3A_259, %swap3A_260] {strides = array<i32>} : memref<200x128xf32, #tpu.memory_space<vmem>>, vector<1x16xf32>,
          %swap3A_262 = vector.shape_cast %swap3A_261 : vector<1x16xf32> to vector<16xf32>
          %swap3A_263 = vector.shape_cast %add3A_258 : vector<16xf32> to vector<1x16xf32>
          tpu.vector_store %arg8[%swap3A_259, %swap3A_260], %swap3A_263 {strides = array<i32>} : memref<200x128xf32, #tpu.memory_space<vmem>>, vector<1x16xf32>,
          %get3A_264 = arith.index_cast %scan3A_167 : i32 to index
          %get3A_265 = arith.constant 112 : index
          %get3A_266 = tpu.vector_load %arg8[%get3A_264, %get3A_265] {strides = array<i32>} : memref<200x128xf32, #tpu.memory_space<vmem>>, vector<1x16xf32>,
          %get3A_267 = vector.shape_cast %get3A_266 : vector<1x16xf32> to vector<16xf32>
          %get3A_268 = arith.index_cast %scan3A_167 : i32 to index
          %get3A_269 = arith.constant 112 : index
          %get3A_270 = tpu.vector_load %arg10[%get3A_268, %get3A_269] {strides = array<i32>} : memref<200x128xf32, #tpu.memory_space<vmem>>, vector<1x16xf32>,
          %get3A_271 = vector.shape_cast %get3A_270 : vector<1x16xf32> to vector<16xf32>
          %add3A_272 = arith.addf %get3A_267, %get3A_271 : vector<16xf32>
          %swap3A_273 = arith.index_cast %scan3A_167 : i32 to index
          %swap3A_274 = arith.constant 112 : index
          %swap3A_275 = tpu.vector_load %arg8[%swap3A_273, %swap3A_274] {strides = array<i32>} : memref<200x128xf32, #tpu.memory_space<vmem>>, vector<1x16xf32>,
          %swap3A_276 = vector.shape_cast %swap3A_275 : vector<1x16xf32> to vector<16xf32>
          %swap3A_277 = vector.shape_cast %add3A_272 : vector<16xf32> to vector<1x16xf32>
          tpu.vector_store %arg8[%swap3A_273, %swap3A_274], %swap3A_277 {strides = array<i32>} : memref<200x128xf32, #tpu.memory_space<vmem>>, vector<1x16xf32>,
        }
        %scan3A_154 = arith.constant 96 : i32
        %add3A_155 = arith.constant 104 : i32
        %add3A_156 = arith.addi %add3A_116, %add3A_155 : i32
        %dma_start3A_157 = arith.constant 104 : i32
        %dma_start3A_158 = arith.constant 0 : i32
        %dma_start3A_159 = tpu.memref_slice %arg8[%dma_start3A_157, %dma_start3A_158] : memref<200x128xf32, #tpu.memory_space<vmem>> -> memref<96x128xf32, #tpu.memory_space<vmem>>
        %dma_start3A_160 = arith.constant 0 : i32
        %dma_start3A_161 = tpu.memref_slice %arg5[%add3A_156, %dma_start3A_160] : memref<819200x128xf32, #tpu.memory_space<hbm>> -> memref<96x128xf32, #tpu.memory_space<hbm>>
        %dma_start3A_162 = arith.constant 0 : i32
        %dma_start3A_163 = tpu.memref_slice %arg5[%add3A_156, %dma_start3A_162] : memref<819200x128xf32, #tpu.memory_space<hbm>> -> memref<96x128xf32, #tpu.memory_space<hbm>>
        %dma_start3A_164 = arith.constant 104 : i32
        %dma_start3A_165 = arith.constant 0 : i32
        %dma_start3A_166 = tpu.memref_slice %arg8[%dma_start3A_164, %dma_start3A_165] : memref<200x128xf32, #tpu.memory_space<vmem>> -> memref<96x128xf32, #tpu.memory_space<vmem>>
        tpu.enqueue_dma source(%dma_start3A_166 : memref<96x128xf32, #tpu.memory_space<vmem>>) target(%dma_start3A_163 : memref<96x128xf32, #tpu.memory_space<hbm>>) target_semaphore(%arg18 : memref<!tpu.dma_semaphore, #tpu.memory_space<semaphore_mem>>)
      } else {
      }
      %mul3A_98 = arith.constant 3 : i32
      %mul3A_99 = arith.muli %scan3A_82, %mul3A_98 : i32
      %add3A_100 = arith.constant 2 : i32
      %add3A_101 = arith.addi %mul3A_99, %add3A_100 : i32
      %lt3A_102 = arith.constant 128 : i32
      %lt3A_103 = arith.cmpi slt, %add3A_101, %lt3A_102 : i32
      %convert_element_type3A_104 = arith.extui %lt3A_103 : i1 to i32
      %cond3A_105 = arith.constant 0 : i32
      %cond3A_106 = arith.cmpi ne, %convert_element_type3A_104, %cond3A_105 : i32
      scf.if %cond3A_106 {
        %add3A_107 = arith.constant 1 : i32
        %add3A_108 = arith.addi %add3A_101, %add3A_107 : i32
        %lt3A_109 = arith.constant 128 : i32
        %lt3A_110 = arith.cmpi slt, %add3A_108, %lt3A_109 : i32
        %convert_element_type3A_111 = arith.extui %lt3A_110 : i1 to i32
        %cond3A_112 = arith.constant 0 : i32
        %cond3A_113 = arith.cmpi ne, %convert_element_type3A_111, %cond3A_112 : i32
        scf.if %cond3A_113 {
          %add3A_167 = arith.constant 1 : i32
          %add3A_168 = arith.addi %add3A_101, %add3A_167 : i32
          %ge3A = arith.constant 3 : i32
          %ge3A_169 = arith.cmpi sge, %add3A_168, %ge3A : i32
          %convert_element_type3A_170 = arith.extui %ge3A_169 : i1 to i32
          %cond3A_171 = arith.constant 0 : i32
          %cond3A_172 = arith.cmpi ne, %convert_element_type3A_170, %cond3A_171 : i32
          scf.if %cond3A_172 {
            %dma_wait3A_193 = arith.constant 0 : i32
            %dma_wait3A_194 = arith.constant 0 : i32
            %dma_wait3A_195 = tpu.memref_slice %arg7[%dma_wait3A_193, %dma_wait3A_194] : memref<200x128xf32, #tpu.memory_space<vmem>> -> memref<104x128xf32, #tpu.memory_space<vmem>>
            %dma_wait3A_196 = arith.constant 0 : i32
            %dma_wait3A_197 = tpu.memref_slice %arg5[%mul3A_2, %dma_wait3A_196] : memref<819200x128xf32, #tpu.memory_space<hbm>> -> memref<104x128xf32, #tpu.memory_space<hbm>>
            %dma_wait3A_198 = arith.constant 0 : i32
            %dma_wait3A_199 = tpu.memref_slice %arg5[%mul3A_2, %dma_wait3A_198] : memref<819200x128xf32, #tpu.memory_space<hbm>> -> memref<104x128xf32, #tpu.memory_space<hbm>>
            %dma_wait3A_200 = arith.constant 0 : i32
            %dma_wait3A_201 = arith.constant 0 : i32
            %dma_wait3A_202 = tpu.memref_slice %arg7[%dma_wait3A_200, %dma_wait3A_201] : memref<200x128xf32, #tpu.memory_space<vmem>> -> memref<104x128xf32, #tpu.memory_space<vmem>>
            tpu.wait_dma2 semaphore(%arg17 : memref<!tpu.dma_semaphore, #tpu.memory_space<semaphore_mem>>) src(%dma_wait3A_202 : memref<104x128xf32, #tpu.memory_space<vmem>>) dst(%dma_wait3A_199 : memref<104x128xf32, #tpu.memory_space<hbm>>)
            %dma_wait3A_203 = arith.constant 104 : i32
            %dma_wait3A_204 = arith.constant 0 : i32
            %dma_wait3A_205 = tpu.memref_slice %arg7[%dma_wait3A_203, %dma_wait3A_204] : memref<200x128xf32, #tpu.memory_space<vmem>> -> memref<96x128xf32, #tpu.memory_space<vmem>>
            %dma_wait3A_206 = arith.constant 0 : i32
            %dma_wait3A_207 = tpu.memref_slice %arg5[%mul3A_2, %dma_wait3A_206] : memref<819200x128xf32, #tpu.memory_space<hbm>> -> memref<96x128xf32, #tpu.memory_space<hbm>>
            %dma_wait3A_208 = arith.constant 0 : i32
            %dma_wait3A_209 = tpu.memref_slice %arg5[%mul3A_2, %dma_wait3A_208] : memref<819200x128xf32, #tpu.memory_space<hbm>> -> memref<96x128xf32, #tpu.memory_space<hbm>>
            %dma_wait3A_210 = arith.constant 104 : i32
            %dma_wait3A_211 = arith.constant 0 : i32
            %dma_wait3A_212 = tpu.memref_slice %arg7[%dma_wait3A_210, %dma_wait3A_211] : memref<200x128xf32, #tpu.memory_space<vmem>> -> memref<96x128xf32, #tpu.memory_space<vmem>>
            tpu.wait_dma2 semaphore(%arg17 : memref<!tpu.dma_semaphore, #tpu.memory_space<semaphore_mem>>) src(%dma_wait3A_212 : memref<96x128xf32, #tpu.memory_space<vmem>>) dst(%dma_wait3A_209 : memref<96x128xf32, #tpu.memory_space<hbm>>)
          } else {
          }
          %add3A_173 = arith.constant 1 : i32
          %add3A_174 = arith.addi %add3A_101, %add3A_173 : i32
          %mul3A_175 = arith.constant 200 : i32
          %mul3A_176 = arith.muli %add3A_174, %mul3A_175 : i32
          %dma_start3A_177 = arith.constant 0 : i32
          %dma_start3A_178 = arith.constant 0 : i32
          %dma_start3A_179 = tpu.memref_slice %arg7[%dma_start3A_177, %dma_start3A_178] : memref<200x128xf32, #tpu.memory_space<vmem>> -> memref<104x128xf32, #tpu.memory_space<vmem>>
          %dma_start3A_180 = tpu.memref_slice %arg6[%mul3A_176] : memref<25600xi32, #tpu.memory_space<vmem>> -> memref<104xi32, #tpu.memory_space<vmem>>
          %dma_start3A_181 = arith.constant 0 : i32
          %dma_start3A_182 = arith.constant 0 : i32
          %dma_start3A_183 = tpu.memref_slice %arg3[%dma_start3A_181, %dma_start3A_182] : memref<100000x128xf32, #tpu.memory_space<hbm>> -> memref<100000x128xf32, #tpu.memory_space<hbm>>
          tpu.enqueue_indirect_dma source(%dma_start3A_183 : memref<100000x128xf32, #tpu.memory_space<hbm>>) target(%dma_start3A_179 : memref<104x128xf32, #tpu.memory_space<vmem>>) offsets(%dma_start3A_180 : memref<104xi32, #tpu.memory_space<vmem>>) semaphore(%arg11 : memref<!tpu.dma_semaphore, #tpu.memory_space<semaphore_mem>>)
          %add3A_184 = arith.constant 104 : i32
          %add3A_185 = arith.addi %mul3A_176, %add3A_184 : i32
          %dma_start3A_186 = arith.constant 104 : i32
          %dma_start3A_187 = arith.constant 0 : i32
          %dma_start3A_188 = tpu.memref_slice %arg7[%dma_start3A_186, %dma_start3A_187] : memref<200x128xf32, #tpu.memory_space<vmem>> -> memref<96x128xf32, #tpu.memory_space<vmem>>
          %dma_start3A_189 = tpu.memref_slice %arg6[%add3A_185] : memref<25600xi32, #tpu.memory_space<vmem>> -> memref<96xi32, #tpu.memory_space<vmem>>
          %dma_start3A_190 = arith.constant 0 : i32
          %dma_start3A_191 = arith.constant 0 : i32
          %dma_start3A_192 = tpu.memref_slice %arg3[%dma_start3A_190, %dma_start3A_191] : memref<100000x128xf32, #tpu.memory_space<hbm>> -> memref<100000x128xf32, #tpu.memory_space<hbm>>
          tpu.enqueue_indirect_dma source(%dma_start3A_192 : memref<100000x128xf32, #tpu.memory_space<hbm>>) target(%dma_start3A_188 : memref<96x128xf32, #tpu.memory_space<vmem>>) offsets(%dma_start3A_189 : memref<96xi32, #tpu.memory_space<vmem>>) semaphore(%arg14 : memref<!tpu.dma_semaphore, #tpu.memory_space<semaphore_mem>>)
        } else {
        }
        %mul3A_114 = arith.constant 200 : i32
        %mul3A_115 = arith.muli %add3A_101, %mul3A_114 : i32
        %add3A_116 = arith.addi %mul3A_2, %mul3A_115 : i32
        %dma_wait3A_117 = arith.constant 0 : i32
        %dma_wait3A_118 = arith.constant 0 : i32
        %dma_wait3A_119 = tpu.memref_slice %arg9[%dma_wait3A_117, %dma_wait3A_118] : memref<200x128xf32, #tpu.memory_space<vmem>> -> memref<104x128xf32, #tpu.memory_space<vmem>>
        %dma_wait3A_120 = arith.constant 0 : i32
        %dma_wait3A_121 = tpu.memref_slice %arg6[%dma_wait3A_120] : memref<25600xi32, #tpu.memory_space<vmem>> -> memref<104xi32, #tpu.memory_space<vmem>>
        %dma_wait3A_122 = arith.constant 0 : i32
        %dma_wait3A_123 = arith.constant 0 : i32
        %dma_wait3A_124 = tpu.memref_slice %arg3[%dma_wait3A_122, %dma_wait3A_123] : memref<100000x128xf32, #tpu.memory_space<hbm>> -> memref<100000x128xf32, #tpu.memory_space<hbm>>
        tpu.wait_indirect_dma semaphore(%arg13 : memref<!tpu.dma_semaphore, #tpu.memory_space<semaphore_mem>>) src(%dma_wait3A_124 : memref<100000x128xf32, #tpu.memory_space<hbm>>) dst(%dma_wait3A_119 : memref<104x128xf32, #tpu.memory_space<vmem>>)
        %scan3A_125 = arith.constant 0 : i32
        %scan3A_126 = arith.constant 0 : i32
        %scan3A_127 = arith.constant 104 : i32
        %scan3A_128 = arith.addi %scan3A_126, %scan3A_127 : i32
        %scan3A_129 = arith.constant 1 : i32
        scf.for %scan3A_167 = %scan3A_126 to %scan3A_128 step %scan3A_129  : i32 {
          %get3A = arith.index_cast %scan3A_167 : i32 to index
          %get3A_168 = arith.constant 0 : index
          %get3A_169 = tpu.vector_load %arg9[%get3A, %get3A_168] {strides = array<i32>} : memref<200x128xf32, #tpu.memory_space<vmem>>, vector<1x16xf32>,
          %get3A_170 = vector.shape_cast %get3A_169 : vector<1x16xf32> to vector<16xf32>
          %get3A_171 = arith.index_cast %scan3A_167 : i32 to index
          %get3A_172 = arith.constant 0 : index
          %get3A_173 = tpu.vector_load %arg10[%get3A_171, %get3A_172] {strides = array<i32>} : memref<200x128xf32, #tpu.memory_space<vmem>>, vector<1x16xf32>,
          %get3A_174 = vector.shape_cast %get3A_173 : vector<1x16xf32> to vector<16xf32>
          %add3A_175 = arith.addf %get3A_170, %get3A_174 : vector<16xf32>
          %swap3A = arith.index_cast %scan3A_167 : i32 to index
          %swap3A_176 = arith.constant 0 : index
          %swap3A_177 = tpu.vector_load %arg9[%swap3A, %swap3A_176] {strides = array<i32>} : memref<200x128xf32, #tpu.memory_space<vmem>>, vector<1x16xf32>,
          %swap3A_178 = vector.shape_cast %swap3A_177 : vector<1x16xf32> to vector<16xf32>
          %swap3A_179 = vector.shape_cast %add3A_175 : vector<16xf32> to vector<1x16xf32>
          tpu.vector_store %arg9[%swap3A, %swap3A_176], %swap3A_179 {strides = array<i32>} : memref<200x128xf32, #tpu.memory_space<vmem>>, vector<1x16xf32>,
          %get3A_180 = arith.index_cast %scan3A_167 : i32 to index
          %get3A_181 = arith.constant 16 : index
          %get3A_182 = tpu.vector_load %arg9[%get3A_180, %get3A_181] {strides = array<i32>} : memref<200x128xf32, #tpu.memory_space<vmem>>, vector<1x16xf32>,
          %get3A_183 = vector.shape_cast %get3A_182 : vector<1x16xf32> to vector<16xf32>
          %get3A_184 = arith.index_cast %scan3A_167 : i32 to index
          %get3A_185 = arith.constant 16 : index
          %get3A_186 = tpu.vector_load %arg10[%get3A_184, %get3A_185] {strides = array<i32>} : memref<200x128xf32, #tpu.memory_space<vmem>>, vector<1x16xf32>,
          %get3A_187 = vector.shape_cast %get3A_186 : vector<1x16xf32> to vector<16xf32>
          %add3A_188 = arith.addf %get3A_183, %get3A_187 : vector<16xf32>
          %swap3A_189 = arith.index_cast %scan3A_167 : i32 to index
          %swap3A_190 = arith.constant 16 : index
          %swap3A_191 = tpu.vector_load %arg9[%swap3A_189, %swap3A_190] {strides = array<i32>} : memref<200x128xf32, #tpu.memory_space<vmem>>, vector<1x16xf32>,
          %swap3A_192 = vector.shape_cast %swap3A_191 : vector<1x16xf32> to vector<16xf32>
          %swap3A_193 = vector.shape_cast %add3A_188 : vector<16xf32> to vector<1x16xf32>
          tpu.vector_store %arg9[%swap3A_189, %swap3A_190], %swap3A_193 {strides = array<i32>} : memref<200x128xf32, #tpu.memory_space<vmem>>, vector<1x16xf32>,
          %get3A_194 = arith.index_cast %scan3A_167 : i32 to index
          %get3A_195 = arith.constant 32 : index
          %get3A_196 = tpu.vector_load %arg9[%get3A_194, %get3A_195] {strides = array<i32>} : memref<200x128xf32, #tpu.memory_space<vmem>>, vector<1x16xf32>,
          %get3A_197 = vector.shape_cast %get3A_196 : vector<1x16xf32> to vector<16xf32>
          %get3A_198 = arith.index_cast %scan3A_167 : i32 to index
          %get3A_199 = arith.constant 32 : index
          %get3A_200 = tpu.vector_load %arg10[%get3A_198, %get3A_199] {strides = array<i32>} : memref<200x128xf32, #tpu.memory_space<vmem>>, vector<1x16xf32>,
          %get3A_201 = vector.shape_cast %get3A_200 : vector<1x16xf32> to vector<16xf32>
          %add3A_202 = arith.addf %get3A_197, %get3A_201 : vector<16xf32>
          %swap3A_203 = arith.index_cast %scan3A_167 : i32 to index
          %swap3A_204 = arith.constant 32 : index
          %swap3A_205 = tpu.vector_load %arg9[%swap3A_203, %swap3A_204] {strides = array<i32>} : memref<200x128xf32, #tpu.memory_space<vmem>>, vector<1x16xf32>,
          %swap3A_206 = vector.shape_cast %swap3A_205 : vector<1x16xf32> to vector<16xf32>
          %swap3A_207 = vector.shape_cast %add3A_202 : vector<16xf32> to vector<1x16xf32>
          tpu.vector_store %arg9[%swap3A_203, %swap3A_204], %swap3A_207 {strides = array<i32>} : memref<200x128xf32, #tpu.memory_space<vmem>>, vector<1x16xf32>,
          %get3A_208 = arith.index_cast %scan3A_167 : i32 to index
          %get3A_209 = arith.constant 48 : index
          %get3A_210 = tpu.vector_load %arg9[%get3A_208, %get3A_209] {strides = array<i32>} : memref<200x128xf32, #tpu.memory_space<vmem>>, vector<1x16xf32>,
          %get3A_211 = vector.shape_cast %get3A_210 : vector<1x16xf32> to vector<16xf32>
          %get3A_212 = arith.index_cast %scan3A_167 : i32 to index
          %get3A_213 = arith.constant 48 : index
          %get3A_214 = tpu.vector_load %arg10[%get3A_212, %get3A_213] {strides = array<i32>} : memref<200x128xf32, #tpu.memory_space<vmem>>, vector<1x16xf32>,
          %get3A_215 = vector.shape_cast %get3A_214 : vector<1x16xf32> to vector<16xf32>
          %add3A_216 = arith.addf %get3A_211, %get3A_215 : vector<16xf32>
          %swap3A_217 = arith.index_cast %scan3A_167 : i32 to index
          %swap3A_218 = arith.constant 48 : index
          %swap3A_219 = tpu.vector_load %arg9[%swap3A_217, %swap3A_218] {strides = array<i32>} : memref<200x128xf32, #tpu.memory_space<vmem>>, vector<1x16xf32>,
          %swap3A_220 = vector.shape_cast %swap3A_219 : vector<1x16xf32> to vector<16xf32>
          %swap3A_221 = vector.shape_cast %add3A_216 : vector<16xf32> to vector<1x16xf32>
          tpu.vector_store %arg9[%swap3A_217, %swap3A_218], %swap3A_221 {strides = array<i32>} : memref<200x128xf32, #tpu.memory_space<vmem>>, vector<1x16xf32>,
          %get3A_222 = arith.index_cast %scan3A_167 : i32 to index
          %get3A_223 = arith.constant 64 : index
          %get3A_224 = tpu.vector_load %arg9[%get3A_222, %get3A_223] {strides = array<i32>} : memref<200x128xf32, #tpu.memory_space<vmem>>, vector<1x16xf32>,
          %get3A_225 = vector.shape_cast %get3A_224 : vector<1x16xf32> to vector<16xf32>
          %get3A_226 = arith.index_cast %scan3A_167 : i32 to index
          %get3A_227 = arith.constant 64 : index
          %get3A_228 = tpu.vector_load %arg10[%get3A_226, %get3A_227] {strides = array<i32>} : memref<200x128xf32, #tpu.memory_space<vmem>>, vector<1x16xf32>,
          %get3A_229 = vector.shape_cast %get3A_228 : vector<1x16xf32> to vector<16xf32>
          %add3A_230 = arith.addf %get3A_225, %get3A_229 : vector<16xf32>
          %swap3A_231 = arith.index_cast %scan3A_167 : i32 to index
          %swap3A_232 = arith.constant 64 : index
          %swap3A_233 = tpu.vector_load %arg9[%swap3A_231, %swap3A_232] {strides = array<i32>} : memref<200x128xf32, #tpu.memory_space<vmem>>, vector<1x16xf32>,
          %swap3A_234 = vector.shape_cast %swap3A_233 : vector<1x16xf32> to vector<16xf32>
          %swap3A_235 = vector.shape_cast %add3A_230 : vector<16xf32> to vector<1x16xf32>
          tpu.vector_store %arg9[%swap3A_231, %swap3A_232], %swap3A_235 {strides = array<i32>} : memref<200x128xf32, #tpu.memory_space<vmem>>, vector<1x16xf32>,
          %get3A_236 = arith.index_cast %scan3A_167 : i32 to index
          %get3A_237 = arith.constant 80 : index
          %get3A_238 = tpu.vector_load %arg9[%get3A_236, %get3A_237] {strides = array<i32>} : memref<200x128xf32, #tpu.memory_space<vmem>>, vector<1x16xf32>,
          %get3A_239 = vector.shape_cast %get3A_238 : vector<1x16xf32> to vector<16xf32>
          %get3A_240 = arith.index_cast %scan3A_167 : i32 to index
          %get3A_241 = arith.constant 80 : index
          %get3A_242 = tpu.vector_load %arg10[%get3A_240, %get3A_241] {strides = array<i32>} : memref<200x128xf32, #tpu.memory_space<vmem>>, vector<1x16xf32>,
          %get3A_243 = vector.shape_cast %get3A_242 : vector<1x16xf32> to vector<16xf32>
          %add3A_244 = arith.addf %get3A_239, %get3A_243 : vector<16xf32>
          %swap3A_245 = arith.index_cast %scan3A_167 : i32 to index
          %swap3A_246 = arith.constant 80 : index
          %swap3A_247 = tpu.vector_load %arg9[%swap3A_245, %swap3A_246] {strides = array<i32>} : memref<200x128xf32, #tpu.memory_space<vmem>>, vector<1x16xf32>,
          %swap3A_248 = vector.shape_cast %swap3A_247 : vector<1x16xf32> to vector<16xf32>
          %swap3A_249 = vector.shape_cast %add3A_244 : vector<16xf32> to vector<1x16xf32>
          tpu.vector_store %arg9[%swap3A_245, %swap3A_246], %swap3A_249 {strides = array<i32>} : memref<200x128xf32, #tpu.memory_space<vmem>>, vector<1x16xf32>,
          %get3A_250 = arith.index_cast %scan3A_167 : i32 to index
          %get3A_251 = arith.constant 96 : index
          %get3A_252 = tpu.vector_load %arg9[%get3A_250, %get3A_251] {strides = array<i32>} : memref<200x128xf32, #tpu.memory_space<vmem>>, vector<1x16xf32>,
          %get3A_253 = vector.shape_cast %get3A_252 : vector<1x16xf32> to vector<16xf32>
          %get3A_254 = arith.index_cast %scan3A_167 : i32 to index
          %get3A_255 = arith.constant 96 : index
          %get3A_256 = tpu.vector_load %arg10[%get3A_254, %get3A_255] {strides = array<i32>} : memref<200x128xf32, #tpu.memory_space<vmem>>, vector<1x16xf32>,
          %get3A_257 = vector.shape_cast %get3A_256 : vector<1x16xf32> to vector<16xf32>
          %add3A_258 = arith.addf %get3A_253, %get3A_257 : vector<16xf32>
          %swap3A_259 = arith.index_cast %scan3A_167 : i32 to index
          %swap3A_260 = arith.constant 96 : index
          %swap3A_261 = tpu.vector_load %arg9[%swap3A_259, %swap3A_260] {strides = array<i32>} : memref<200x128xf32, #tpu.memory_space<vmem>>, vector<1x16xf32>,
          %swap3A_262 = vector.shape_cast %swap3A_261 : vector<1x16xf32> to vector<16xf32>
          %swap3A_263 = vector.shape_cast %add3A_258 : vector<16xf32> to vector<1x16xf32>
          tpu.vector_store %arg9[%swap3A_259, %swap3A_260], %swap3A_263 {strides = array<i32>} : memref<200x128xf32, #tpu.memory_space<vmem>>, vector<1x16xf32>,
          %get3A_264 = arith.index_cast %scan3A_167 : i32 to index
          %get3A_265 = arith.constant 112 : index
          %get3A_266 = tpu.vector_load %arg9[%get3A_264, %get3A_265] {strides = array<i32>} : memref<200x128xf32, #tpu.memory_space<vmem>>, vector<1x16xf32>,
          %get3A_267 = vector.shape_cast %get3A_266 : vector<1x16xf32> to vector<16xf32>
          %get3A_268 = arith.index_cast %scan3A_167 : i32 to index
          %get3A_269 = arith.constant 112 : index
          %get3A_270 = tpu.vector_load %arg10[%get3A_268, %get3A_269] {strides = array<i32>} : memref<200x128xf32, #tpu.memory_space<vmem>>, vector<1x16xf32>,
          %get3A_271 = vector.shape_cast %get3A_270 : vector<1x16xf32> to vector<16xf32>
          %add3A_272 = arith.addf %get3A_267, %get3A_271 : vector<16xf32>
          %swap3A_273 = arith.index_cast %scan3A_167 : i32 to index
          %swap3A_274 = arith.constant 112 : index
          %swap3A_275 = tpu.vector_load %arg9[%swap3A_273, %swap3A_274] {strides = array<i32>} : memref<200x128xf32, #tpu.memory_space<vmem>>, vector<1x16xf32>,
          %swap3A_276 = vector.shape_cast %swap3A_275 : vector<1x16xf32> to vector<16xf32>
          %swap3A_277 = vector.shape_cast %add3A_272 : vector<16xf32> to vector<1x16xf32>
          tpu.vector_store %arg9[%swap3A_273, %swap3A_274], %swap3A_277 {strides = array<i32>} : memref<200x128xf32, #tpu.memory_space<vmem>>, vector<1x16xf32>,
        }
        %scan3A_130 = arith.constant 104 : i32
        %dma_start3A_131 = arith.constant 0 : i32
        %dma_start3A_132 = arith.constant 0 : i32
        %dma_start3A_133 = tpu.memref_slice %arg9[%dma_start3A_131, %dma_start3A_132] : memref<200x128xf32, #tpu.memory_space<vmem>> -> memref<104x128xf32, #tpu.memory_space<vmem>>
        %dma_start3A_134 = arith.constant 0 : i32
        %dma_start3A_135 = tpu.memref_slice %arg5[%add3A_116, %dma_start3A_134] : memref<819200x128xf32, #tpu.memory_space<hbm>> -> memref<104x128xf32, #tpu.memory_space<hbm>>
        %dma_start3A_136 = arith.constant 0 : i32
        %dma_start3A_137 = tpu.memref_slice %arg5[%add3A_116, %dma_start3A_136] : memref<819200x128xf32, #tpu.memory_space<hbm>> -> memref<104x128xf32, #tpu.memory_space<hbm>>
        %dma_start3A_138 = arith.constant 0 : i32
        %dma_start3A_139 = arith.constant 0 : i32
        %dma_start3A_140 = tpu.memref_slice %arg9[%dma_start3A_138, %dma_start3A_139] : memref<200x128xf32, #tpu.memory_space<vmem>> -> memref<104x128xf32, #tpu.memory_space<vmem>>
        tpu.enqueue_dma source(%dma_start3A_140 : memref<104x128xf32, #tpu.memory_space<vmem>>) target(%dma_start3A_137 : memref<104x128xf32, #tpu.memory_space<hbm>>) target_semaphore(%arg19 : memref<!tpu.dma_semaphore, #tpu.memory_space<semaphore_mem>>)
        %dma_wait3A_141 = arith.constant 104 : i32
        %dma_wait3A_142 = arith.constant 0 : i32
        %dma_wait3A_143 = tpu.memref_slice %arg9[%dma_wait3A_141, %dma_wait3A_142] : memref<200x128xf32, #tpu.memory_space<vmem>> -> memref<96x128xf32, #tpu.memory_space<vmem>>
        %dma_wait3A_144 = arith.constant 104 : i32
        %dma_wait3A_145 = tpu.memref_slice %arg6[%dma_wait3A_144] : memref<25600xi32, #tpu.memory_space<vmem>> -> memref<96xi32, #tpu.memory_space<vmem>>
        %dma_wait3A_146 = arith.constant 0 : i32
        %dma_wait3A_147 = arith.constant 0 : i32
        %dma_wait3A_148 = tpu.memref_slice %arg3[%dma_wait3A_146, %dma_wait3A_147] : memref<100000x128xf32, #tpu.memory_space<hbm>> -> memref<100000x128xf32, #tpu.memory_space<hbm>>
        tpu.wait_indirect_dma semaphore(%arg16 : memref<!tpu.dma_semaphore, #tpu.memory_space<semaphore_mem>>) src(%dma_wait3A_148 : memref<100000x128xf32, #tpu.memory_space<hbm>>) dst(%dma_wait3A_143 : memref<96x128xf32, #tpu.memory_space<vmem>>)
        %scan3A_149 = arith.constant 0 : i32
        %scan3A_150 = arith.constant 104 : i32
        %scan3A_151 = arith.constant 96 : i32
        %scan3A_152 = arith.addi %scan3A_150, %scan3A_151 : i32
        %scan3A_153 = arith.constant 1 : i32
        scf.for %scan3A_167 = %scan3A_150 to %scan3A_152 step %scan3A_153  : i32 {
          %get3A = arith.index_cast %scan3A_167 : i32 to index
          %get3A_168 = arith.constant 0 : index
          %get3A_169 = tpu.vector_load %arg9[%get3A, %get3A_168] {strides = array<i32>} : memref<200x128xf32, #tpu.memory_space<vmem>>, vector<1x16xf32>,
          %get3A_170 = vector.shape_cast %get3A_169 : vector<1x16xf32> to vector<16xf32>
          %get3A_171 = arith.index_cast %scan3A_167 : i32 to index
          %get3A_172 = arith.constant 0 : index
          %get3A_173 = tpu.vector_load %arg10[%get3A_171, %get3A_172] {strides = array<i32>} : memref<200x128xf32, #tpu.memory_space<vmem>>, vector<1x16xf32>,
          %get3A_174 = vector.shape_cast %get3A_173 : vector<1x16xf32> to vector<16xf32>
          %add3A_175 = arith.addf %get3A_170, %get3A_174 : vector<16xf32>
          %swap3A = arith.index_cast %scan3A_167 : i32 to index
          %swap3A_176 = arith.constant 0 : index
          %swap3A_177 = tpu.vector_load %arg9[%swap3A, %swap3A_176] {strides = array<i32>} : memref<200x128xf32, #tpu.memory_space<vmem>>, vector<1x16xf32>,
          %swap3A_178 = vector.shape_cast %swap3A_177 : vector<1x16xf32> to vector<16xf32>
          %swap3A_179 = vector.shape_cast %add3A_175 : vector<16xf32> to vector<1x16xf32>
          tpu.vector_store %arg9[%swap3A, %swap3A_176], %swap3A_179 {strides = array<i32>} : memref<200x128xf32, #tpu.memory_space<vmem>>, vector<1x16xf32>,
          %get3A_180 = arith.index_cast %scan3A_167 : i32 to index
          %get3A_181 = arith.constant 16 : index
          %get3A_182 = tpu.vector_load %arg9[%get3A_180, %get3A_181] {strides = array<i32>} : memref<200x128xf32, #tpu.memory_space<vmem>>, vector<1x16xf32>,
          %get3A_183 = vector.shape_cast %get3A_182 : vector<1x16xf32> to vector<16xf32>
          %get3A_184 = arith.index_cast %scan3A_167 : i32 to index
          %get3A_185 = arith.constant 16 : index
          %get3A_186 = tpu.vector_load %arg10[%get3A_184, %get3A_185] {strides = array<i32>} : memref<200x128xf32, #tpu.memory_space<vmem>>, vector<1x16xf32>,
          %get3A_187 = vector.shape_cast %get3A_186 : vector<1x16xf32> to vector<16xf32>
          %add3A_188 = arith.addf %get3A_183, %get3A_187 : vector<16xf32>
          %swap3A_189 = arith.index_cast %scan3A_167 : i32 to index
          %swap3A_190 = arith.constant 16 : index
          %swap3A_191 = tpu.vector_load %arg9[%swap3A_189, %swap3A_190] {strides = array<i32>} : memref<200x128xf32, #tpu.memory_space<vmem>>, vector<1x16xf32>,
          %swap3A_192 = vector.shape_cast %swap3A_191 : vector<1x16xf32> to vector<16xf32>
          %swap3A_193 = vector.shape_cast %add3A_188 : vector<16xf32> to vector<1x16xf32>
          tpu.vector_store %arg9[%swap3A_189, %swap3A_190], %swap3A_193 {strides = array<i32>} : memref<200x128xf32, #tpu.memory_space<vmem>>, vector<1x16xf32>,
          %get3A_194 = arith.index_cast %scan3A_167 : i32 to index
          %get3A_195 = arith.constant 32 : index
          %get3A_196 = tpu.vector_load %arg9[%get3A_194, %get3A_195] {strides = array<i32>} : memref<200x128xf32, #tpu.memory_space<vmem>>, vector<1x16xf32>,
          %get3A_197 = vector.shape_cast %get3A_196 : vector<1x16xf32> to vector<16xf32>
          %get3A_198 = arith.index_cast %scan3A_167 : i32 to index
          %get3A_199 = arith.constant 32 : index
          %get3A_200 = tpu.vector_load %arg10[%get3A_198, %get3A_199] {strides = array<i32>} : memref<200x128xf32, #tpu.memory_space<vmem>>, vector<1x16xf32>,
          %get3A_201 = vector.shape_cast %get3A_200 : vector<1x16xf32> to vector<16xf32>
          %add3A_202 = arith.addf %get3A_197, %get3A_201 : vector<16xf32>
          %swap3A_203 = arith.index_cast %scan3A_167 : i32 to index
          %swap3A_204 = arith.constant 32 : index
          %swap3A_205 = tpu.vector_load %arg9[%swap3A_203, %swap3A_204] {strides = array<i32>} : memref<200x128xf32, #tpu.memory_space<vmem>>, vector<1x16xf32>,
          %swap3A_206 = vector.shape_cast %swap3A_205 : vector<1x16xf32> to vector<16xf32>
          %swap3A_207 = vector.shape_cast %add3A_202 : vector<16xf32> to vector<1x16xf32>
          tpu.vector_store %arg9[%swap3A_203, %swap3A_204], %swap3A_207 {strides = array<i32>} : memref<200x128xf32, #tpu.memory_space<vmem>>, vector<1x16xf32>,
          %get3A_208 = arith.index_cast %scan3A_167 : i32 to index
          %get3A_209 = arith.constant 48 : index
          %get3A_210 = tpu.vector_load %arg9[%get3A_208, %get3A_209] {strides = array<i32>} : memref<200x128xf32, #tpu.memory_space<vmem>>, vector<1x16xf32>,
          %get3A_211 = vector.shape_cast %get3A_210 : vector<1x16xf32> to vector<16xf32>
          %get3A_212 = arith.index_cast %scan3A_167 : i32 to index
          %get3A_213 = arith.constant 48 : index
          %get3A_214 = tpu.vector_load %arg10[%get3A_212, %get3A_213] {strides = array<i32>} : memref<200x128xf32, #tpu.memory_space<vmem>>, vector<1x16xf32>,
          %get3A_215 = vector.shape_cast %get3A_214 : vector<1x16xf32> to vector<16xf32>
          %add3A_216 = arith.addf %get3A_211, %get3A_215 : vector<16xf32>
          %swap3A_217 = arith.index_cast %scan3A_167 : i32 to index
          %swap3A_218 = arith.constant 48 : index
          %swap3A_219 = tpu.vector_load %arg9[%swap3A_217, %swap3A_218] {strides = array<i32>} : memref<200x128xf32, #tpu.memory_space<vmem>>, vector<1x16xf32>,
          %swap3A_220 = vector.shape_cast %swap3A_219 : vector<1x16xf32> to vector<16xf32>
          %swap3A_221 = vector.shape_cast %add3A_216 : vector<16xf32> to vector<1x16xf32>
          tpu.vector_store %arg9[%swap3A_217, %swap3A_218], %swap3A_221 {strides = array<i32>} : memref<200x128xf32, #tpu.memory_space<vmem>>, vector<1x16xf32>,
          %get3A_222 = arith.index_cast %scan3A_167 : i32 to index
          %get3A_223 = arith.constant 64 : index
          %get3A_224 = tpu.vector_load %arg9[%get3A_222, %get3A_223] {strides = array<i32>} : memref<200x128xf32, #tpu.memory_space<vmem>>, vector<1x16xf32>,
          %get3A_225 = vector.shape_cast %get3A_224 : vector<1x16xf32> to vector<16xf32>
          %get3A_226 = arith.index_cast %scan3A_167 : i32 to index
          %get3A_227 = arith.constant 64 : index
          %get3A_228 = tpu.vector_load %arg10[%get3A_226, %get3A_227] {strides = array<i32>} : memref<200x128xf32, #tpu.memory_space<vmem>>, vector<1x16xf32>,
          %get3A_229 = vector.shape_cast %get3A_228 : vector<1x16xf32> to vector<16xf32>
          %add3A_230 = arith.addf %get3A_225, %get3A_229 : vector<16xf32>
          %swap3A_231 = arith.index_cast %scan3A_167 : i32 to index
          %swap3A_232 = arith.constant 64 : index
          %swap3A_233 = tpu.vector_load %arg9[%swap3A_231, %swap3A_232] {strides = array<i32>} : memref<200x128xf32, #tpu.memory_space<vmem>>, vector<1x16xf32>,
          %swap3A_234 = vector.shape_cast %swap3A_233 : vector<1x16xf32> to vector<16xf32>
          %swap3A_235 = vector.shape_cast %add3A_230 : vector<16xf32> to vector<1x16xf32>
          tpu.vector_store %arg9[%swap3A_231, %swap3A_232], %swap3A_235 {strides = array<i32>} : memref<200x128xf32, #tpu.memory_space<vmem>>, vector<1x16xf32>,
          %get3A_236 = arith.index_cast %scan3A_167 : i32 to index
          %get3A_237 = arith.constant 80 : index
          %get3A_238 = tpu.vector_load %arg9[%get3A_236, %get3A_237] {strides = array<i32>} : memref<200x128xf32, #tpu.memory_space<vmem>>, vector<1x16xf32>,
          %get3A_239 = vector.shape_cast %get3A_238 : vector<1x16xf32> to vector<16xf32>
          %get3A_240 = arith.index_cast %scan3A_167 : i32 to index
          %get3A_241 = arith.constant 80 : index
          %get3A_242 = tpu.vector_load %arg10[%get3A_240, %get3A_241] {strides = array<i32>} : memref<200x128xf32, #tpu.memory_space<vmem>>, vector<1x16xf32>,
          %get3A_243 = vector.shape_cast %get3A_242 : vector<1x16xf32> to vector<16xf32>
          %add3A_244 = arith.addf %get3A_239, %get3A_243 : vector<16xf32>
          %swap3A_245 = arith.index_cast %scan3A_167 : i32 to index
          %swap3A_246 = arith.constant 80 : index
          %swap3A_247 = tpu.vector_load %arg9[%swap3A_245, %swap3A_246] {strides = array<i32>} : memref<200x128xf32, #tpu.memory_space<vmem>>, vector<1x16xf32>,
          %swap3A_248 = vector.shape_cast %swap3A_247 : vector<1x16xf32> to vector<16xf32>
          %swap3A_249 = vector.shape_cast %add3A_244 : vector<16xf32> to vector<1x16xf32>
          tpu.vector_store %arg9[%swap3A_245, %swap3A_246], %swap3A_249 {strides = array<i32>} : memref<200x128xf32, #tpu.memory_space<vmem>>, vector<1x16xf32>,
          %get3A_250 = arith.index_cast %scan3A_167 : i32 to index
          %get3A_251 = arith.constant 96 : index
          %get3A_252 = tpu.vector_load %arg9[%get3A_250, %get3A_251] {strides = array<i32>} : memref<200x128xf32, #tpu.memory_space<vmem>>, vector<1x16xf32>,
          %get3A_253 = vector.shape_cast %get3A_252 : vector<1x16xf32> to vector<16xf32>
          %get3A_254 = arith.index_cast %scan3A_167 : i32 to index
          %get3A_255 = arith.constant 96 : index
          %get3A_256 = tpu.vector_load %arg10[%get3A_254, %get3A_255] {strides = array<i32>} : memref<200x128xf32, #tpu.memory_space<vmem>>, vector<1x16xf32>,
          %get3A_257 = vector.shape_cast %get3A_256 : vector<1x16xf32> to vector<16xf32>
          %add3A_258 = arith.addf %get3A_253, %get3A_257 : vector<16xf32>
          %swap3A_259 = arith.index_cast %scan3A_167 : i32 to index
          %swap3A_260 = arith.constant 96 : index
          %swap3A_261 = tpu.vector_load %arg9[%swap3A_259, %swap3A_260] {strides = array<i32>} : memref<200x128xf32, #tpu.memory_space<vmem>>, vector<1x16xf32>,
          %swap3A_262 = vector.shape_cast %swap3A_261 : vector<1x16xf32> to vector<16xf32>
          %swap3A_263 = vector.shape_cast %add3A_258 : vector<16xf32> to vector<1x16xf32>
          tpu.vector_store %arg9[%swap3A_259, %swap3A_260], %swap3A_263 {strides = array<i32>} : memref<200x128xf32, #tpu.memory_space<vmem>>, vector<1x16xf32>,
          %get3A_264 = arith.index_cast %scan3A_167 : i32 to index
          %get3A_265 = arith.constant 112 : index
          %get3A_266 = tpu.vector_load %arg9[%get3A_264, %get3A_265] {strides = array<i32>} : memref<200x128xf32, #tpu.memory_space<vmem>>, vector<1x16xf32>,
          %get3A_267 = vector.shape_cast %get3A_266 : vector<1x16xf32> to vector<16xf32>
          %get3A_268 = arith.index_cast %scan3A_167 : i32 to index
          %get3A_269 = arith.constant 112 : index
          %get3A_270 = tpu.vector_load %arg10[%get3A_268, %get3A_269] {strides = array<i32>} : memref<200x128xf32, #tpu.memory_space<vmem>>, vector<1x16xf32>,
          %get3A_271 = vector.shape_cast %get3A_270 : vector<1x16xf32> to vector<16xf32>
          %add3A_272 = arith.addf %get3A_267, %get3A_271 : vector<16xf32>
          %swap3A_273 = arith.index_cast %scan3A_167 : i32 to index
          %swap3A_274 = arith.constant 112 : index
          %swap3A_275 = tpu.vector_load %arg9[%swap3A_273, %swap3A_274] {strides = array<i32>} : memref<200x128xf32, #tpu.memory_space<vmem>>, vector<1x16xf32>,
          %swap3A_276 = vector.shape_cast %swap3A_275 : vector<1x16xf32> to vector<16xf32>
          %swap3A_277 = vector.shape_cast %add3A_272 : vector<16xf32> to vector<1x16xf32>
          tpu.vector_store %arg9[%swap3A_273, %swap3A_274], %swap3A_277 {strides = array<i32>} : memref<200x128xf32, #tpu.memory_space<vmem>>, vector<1x16xf32>,
        }
        %scan3A_154 = arith.constant 96 : i32
        %add3A_155 = arith.constant 104 : i32
        %add3A_156 = arith.addi %add3A_116, %add3A_155 : i32
        %dma_start3A_157 = arith.constant 104 : i32
        %dma_start3A_158 = arith.constant 0 : i32
        %dma_start3A_159 = tpu.memref_slice %arg9[%dma_start3A_157, %dma_start3A_158] : memref<200x128xf32, #tpu.memory_space<vmem>> -> memref<96x128xf32, #tpu.memory_space<vmem>>
        %dma_start3A_160 = arith.constant 0 : i32
        %dma_start3A_161 = tpu.memref_slice %arg5[%add3A_156, %dma_start3A_160] : memref<819200x128xf32, #tpu.memory_space<hbm>> -> memref<96x128xf32, #tpu.memory_space<hbm>>
        %dma_start3A_162 = arith.constant 0 : i32
        %dma_start3A_163 = tpu.memref_slice %arg5[%add3A_156, %dma_start3A_162] : memref<819200x128xf32, #tpu.memory_space<hbm>> -> memref<96x128xf32, #tpu.memory_space<hbm>>
        %dma_start3A_164 = arith.constant 104 : i32
        %dma_start3A_165 = arith.constant 0 : i32
        %dma_start3A_166 = tpu.memref_slice %arg9[%dma_start3A_164, %dma_start3A_165] : memref<200x128xf32, #tpu.memory_space<vmem>> -> memref<96x128xf32, #tpu.memory_space<vmem>>
        tpu.enqueue_dma source(%dma_start3A_166 : memref<96x128xf32, #tpu.memory_space<vmem>>) target(%dma_start3A_163 : memref<96x128xf32, #tpu.memory_space<hbm>>) target_semaphore(%arg19 : memref<!tpu.dma_semaphore, #tpu.memory_space<semaphore_mem>>)
      } else {
      }
    }
    %scan3A_22 = arith.constant 43 : i32
    %dma_wait3A = arith.constant 0 : i32
    %dma_wait3A_23 = arith.constant 0 : i32
    %dma_wait3A_24 = tpu.memref_slice %arg7[%dma_wait3A, %dma_wait3A_23] : memref<200x128xf32, #tpu.memory_space<vmem>> -> memref<104x128xf32, #tpu.memory_space<vmem>>
    %dma_wait3A_25 = arith.constant 0 : i32
    %dma_wait3A_26 = tpu.memref_slice %arg5[%mul3A_2, %dma_wait3A_25] : memref<819200x128xf32, #tpu.memory_space<hbm>> -> memref<104x128xf32, #tpu.memory_space<hbm>>
    %dma_wait3A_27 = arith.constant 0 : i32
    %dma_wait3A_28 = tpu.memref_slice %arg5[%mul3A_2, %dma_wait3A_27] : memref<819200x128xf32, #tpu.memory_space<hbm>> -> memref<104x128xf32, #tpu.memory_space<hbm>>
    %dma_wait3A_29 = arith.constant 0 : i32
    %dma_wait3A_30 = arith.constant 0 : i32
    %dma_wait3A_31 = tpu.memref_slice %arg7[%dma_wait3A_29, %dma_wait3A_30] : memref<200x128xf32, #tpu.memory_space<vmem>> -> memref<104x128xf32, #tpu.memory_space<vmem>>
    tpu.wait_dma2 semaphore(%arg17 : memref<!tpu.dma_semaphore, #tpu.memory_space<semaphore_mem>>) src(%dma_wait3A_31 : memref<104x128xf32, #tpu.memory_space<vmem>>) dst(%dma_wait3A_28 : memref<104x128xf32, #tpu.memory_space<hbm>>)
    %dma_wait3A_32 = arith.constant 104 : i32
    %dma_wait3A_33 = arith.constant 0 : i32
    %dma_wait3A_34 = tpu.memref_slice %arg7[%dma_wait3A_32, %dma_wait3A_33] : memref<200x128xf32, #tpu.memory_space<vmem>> -> memref<96x128xf32, #tpu.memory_space<vmem>>
    %dma_wait3A_35 = arith.constant 0 : i32
    %dma_wait3A_36 = tpu.memref_slice %arg5[%mul3A_2, %dma_wait3A_35] : memref<819200x128xf32, #tpu.memory_space<hbm>> -> memref<96x128xf32, #tpu.memory_space<hbm>>
    %dma_wait3A_37 = arith.constant 0 : i32
    %dma_wait3A_38 = tpu.memref_slice %arg5[%mul3A_2, %dma_wait3A_37] : memref<819200x128xf32, #tpu.memory_space<hbm>> -> memref<96x128xf32, #tpu.memory_space<hbm>>
    %dma_wait3A_39 = arith.constant 104 : i32
    %dma_wait3A_40 = arith.constant 0 : i32
    %dma_wait3A_41 = tpu.memref_slice %arg7[%dma_wait3A_39, %dma_wait3A_40] : memref<200x128xf32, #tpu.memory_space<vmem>> -> memref<96x128xf32, #tpu.memory_space<vmem>>
    tpu.wait_dma2 semaphore(%arg17 : memref<!tpu.dma_semaphore, #tpu.memory_space<semaphore_mem>>) src(%dma_wait3A_41 : memref<96x128xf32, #tpu.memory_space<vmem>>) dst(%dma_wait3A_38 : memref<96x128xf32, #tpu.memory_space<hbm>>)
    %dma_wait3A_42 = arith.constant 0 : i32
    %dma_wait3A_43 = arith.constant 0 : i32
    %dma_wait3A_44 = tpu.memref_slice %arg8[%dma_wait3A_42, %dma_wait3A_43] : memref<200x128xf32, #tpu.memory_space<vmem>> -> memref<104x128xf32, #tpu.memory_space<vmem>>
    %dma_wait3A_45 = arith.constant 0 : i32
    %dma_wait3A_46 = tpu.memref_slice %arg5[%mul3A_2, %dma_wait3A_45] : memref<819200x128xf32, #tpu.memory_space<hbm>> -> memref<104x128xf32, #tpu.memory_space<hbm>>
    %dma_wait3A_47 = arith.constant 0 : i32
    %dma_wait3A_48 = tpu.memref_slice %arg5[%mul3A_2, %dma_wait3A_47] : memref<819200x128xf32, #tpu.memory_space<hbm>> -> memref<104x128xf32, #tpu.memory_space<hbm>>
    %dma_wait3A_49 = arith.constant 0 : i32
    %dma_wait3A_50 = arith.constant 0 : i32
    %dma_wait3A_51 = tpu.memref_slice %arg8[%dma_wait3A_49, %dma_wait3A_50] : memref<200x128xf32, #tpu.memory_space<vmem>> -> memref<104x128xf32, #tpu.memory_space<vmem>>
    tpu.wait_dma2 semaphore(%arg18 : memref<!tpu.dma_semaphore, #tpu.memory_space<semaphore_mem>>) src(%dma_wait3A_51 : memref<104x128xf32, #tpu.memory_space<vmem>>) dst(%dma_wait3A_48 : memref<104x128xf32, #tpu.memory_space<hbm>>)
    %dma_wait3A_52 = arith.constant 104 : i32
    %dma_wait3A_53 = arith.constant 0 : i32
    %dma_wait3A_54 = tpu.memref_slice %arg8[%dma_wait3A_52, %dma_wait3A_53] : memref<200x128xf32, #tpu.memory_space<vmem>> -> memref<96x128xf32, #tpu.memory_space<vmem>>
    %dma_wait3A_55 = arith.constant 0 : i32
    %dma_wait3A_56 = tpu.memref_slice %arg5[%mul3A_2, %dma_wait3A_55] : memref<819200x128xf32, #tpu.memory_space<hbm>> -> memref<96x128xf32, #tpu.memory_space<hbm>>
    %dma_wait3A_57 = arith.constant 0 : i32
    %dma_wait3A_58 = tpu.memref_slice %arg5[%mul3A_2, %dma_wait3A_57] : memref<819200x128xf32, #tpu.memory_space<hbm>> -> memref<96x128xf32, #tpu.memory_space<hbm>>
    %dma_wait3A_59 = arith.constant 104 : i32
    %dma_wait3A_60 = arith.constant 0 : i32
    %dma_wait3A_61 = tpu.memref_slice %arg8[%dma_wait3A_59, %dma_wait3A_60] : memref<200x128xf32, #tpu.memory_space<vmem>> -> memref<96x128xf32, #tpu.memory_space<vmem>>
    tpu.wait_dma2 semaphore(%arg18 : memref<!tpu.dma_semaphore, #tpu.memory_space<semaphore_mem>>) src(%dma_wait3A_61 : memref<96x128xf32, #tpu.memory_space<vmem>>) dst(%dma_wait3A_58 : memref<96x128xf32, #tpu.memory_space<hbm>>)
    %dma_wait3A_62 = arith.constant 0 : i32
    %dma_wait3A_63 = arith.constant 0 : i32
    %dma_wait3A_64 = tpu.memref_slice %arg9[%dma_wait3A_62, %dma_wait3A_63] : memref<200x128xf32, #tpu.memory_space<vmem>> -> memref<104x128xf32, #tpu.memory_space<vmem>>
    %dma_wait3A_65 = arith.constant 0 : i32
    %dma_wait3A_66 = tpu.memref_slice %arg5[%mul3A_2, %dma_wait3A_65] : memref<819200x128xf32, #tpu.memory_space<hbm>> -> memref<104x128xf32, #tpu.memory_space<hbm>>
    %dma_wait3A_67 = arith.constant 0 : i32
    %dma_wait3A_68 = tpu.memref_slice %arg5[%mul3A_2, %dma_wait3A_67] : memref<819200x128xf32, #tpu.memory_space<hbm>> -> memref<104x128xf32, #tpu.memory_space<hbm>>
    %dma_wait3A_69 = arith.constant 0 : i32
    %dma_wait3A_70 = arith.constant 0 : i32
    %dma_wait3A_71 = tpu.memref_slice %arg9[%dma_wait3A_69, %dma_wait3A_70] : memref<200x128xf32, #tpu.memory_space<vmem>> -> memref<104x128xf32, #tpu.memory_space<vmem>>
    tpu.wait_dma2 semaphore(%arg19 : memref<!tpu.dma_semaphore, #tpu.memory_space<semaphore_mem>>) src(%dma_wait3A_71 : memref<104x128xf32, #tpu.memory_space<vmem>>) dst(%dma_wait3A_68 : memref<104x128xf32, #tpu.memory_space<hbm>>)
    %dma_wait3A_72 = arith.constant 104 : i32
    %dma_wait3A_73 = arith.constant 0 : i32
    %dma_wait3A_74 = tpu.memref_slice %arg9[%dma_wait3A_72, %dma_wait3A_73] : memref<200x128xf32, #tpu.memory_space<vmem>> -> memref<96x128xf32, #tpu.memory_space<vmem>>
    %dma_wait3A_75 = arith.constant 0 : i32
    %dma_wait3A_76 = tpu.memref_slice %arg5[%mul3A_2, %dma_wait3A_75] : memref<819200x128xf32, #tpu.memory_space<hbm>> -> memref<96x128xf32, #tpu.memory_space<hbm>>
    %dma_wait3A_77 = arith.constant 0 : i32
    %dma_wait3A_78 = tpu.memref_slice %arg5[%mul3A_2, %dma_wait3A_77] : memref<819200x128xf32, #tpu.memory_space<hbm>> -> memref<96x128xf32, #tpu.memory_space<hbm>>
    %dma_wait3A_79 = arith.constant 104 : i32
    %dma_wait3A_80 = arith.constant 0 : i32
    %dma_wait3A_81 = tpu.memref_slice %arg9[%dma_wait3A_79, %dma_wait3A_80] : memref<200x128xf32, #tpu.memory_space<vmem>> -> memref<96x128xf32, #tpu.memory_space<vmem>>
    tpu.wait_dma2 semaphore(%arg19 : memref<!tpu.dma_semaphore, #tpu.memory_space<semaphore_mem>>) src(%dma_wait3A_81 : memref<96x128xf32, #tpu.memory_space<vmem>>) dst(%dma_wait3A_78 : memref<96x128xf32, #tpu.memory_space<hbm>>)
    return
  }
}

</mosaic_0001>

<sc_bundles>
// kernel: kernel.3.cloned.1.call-start
scs
__scs_entry_jumppad:
0x0: {  	(pc) =	sbr.rel $0x88, $3  }
0x1: {  	(tag) =	ssettag $0x0;
	lr =	simm.s32 $0x1  }
0x2: {  	[smem:$0x3F9E] =	sst lr;
	_ =	strace $0xD0000000  }
0x3: {  	_ = 	snop  }
0x4: {  	_ = 	snop  }
0x5: {  	_ = 	snop  }
0x6: {  	_ = 	snop  }
0x7: {  	_ = 	snop  }
__scs_overlays_trampoline_lowered:
0x8: {  	[smem:$0x3FAD] =	sst s0  }
0x9: {  	[smem:$0x3FAE] =	sst s1  }
0xa: {  	[smem:$0x3FAF] =	sst s2  }
0xb: {  	[smem:$0x3FB0] =	sst s3  }
0xc: {  	[smem:$0x3FB1] =	sst s4  }
0xd: {  	[smem:$0x3FB2] =	sst s5  }
0xe: {  	[smem:$0x3FB3] =	sst s6  }
0xf: {  	[smem:$0x3FB4] =	sst s7  }
0x10: {  	[smem:$0x3FB5] =	sst s8  }
0x11: {  	[smem:$0x3FB6] =	sst s9;
	s0 =	simm.s32 @!p0 $0x0  }
0x12: {  	s1 =	sld [smem:$0x3F9C];
	s0 =	simm.s32 @p0 $0x1  }
0x13: {  	[smem:$0x3FB7] =	sst s0;
	s0 =	simm.s32 @!p1 $0x0  }
0x14: {  	s2 =	sld [smem:$0x3F9B];
	s0 =	simm.s32 @p1 $0x1  }
0x15: {  	[smem:$0x3FB8] =	sst s0;
	s0 =	simm.s32 @!p2 $0x0  }
0x16: {  	s3 =	sld [smem:$0x3FDB];
	s0 =	simm.s32 @p2 $0x1  }
0x17: {  	s4 =	simm.s32 $0x1BF5;
	[smem:$0x3FBA] =	sst s0  }
0x18: {  	s0 =	sld [smem:$0x3F9D];
	_ =	swait.ge [sflag:s4], $0x0  }
0x19: {  	s7 =	sld [smem:$0x3F9E]  }
0x1a: {  	s8 =	sadd.s32 $0xFFFFE003, lr  }
0x1b: {  	s9 =	sadd.s32 $0xFFFFFEF7, lr;
	s5 =	simm.s32 $0xFFFFFFFF;
	p2 =	slt.u32 s8, $0xFFFFF086  }
0x1c: {  	p1 =	slt.u32 s9, $0xF7A;
	s5 =	simm.s32 @!p2 $0x0  }
0x1d: {  	s5 =	simm.s32 @p1 $0x1;
	p0 =	seq.s32 s7, s2  }
0x1e: {  	s7 =	smul.u32 @!p0 $0xF7A, s2;
	p2 =	seq.s32 @!p0 s5, $0x0  }
0x1f: {  	s9 =	smul.u32 $0xF7A, s1;
	s8 =	simm.s32 @!p0 $0x1BF5;
	p2 =	por !p2, p0  }
0x20: {  	[sflag:s8] =	ssyncset.s32 @!p0 $0xFFFFF086;
	s6 =	sadd.s32 @!p0 s3, s7;
	s7 =	simm.s32 @!p0 $0x108  }
0x21: {  	s3 =	sadd.s32 s3, s9;
	s6 =	sadd.s32 @!p0 $0x88, s6;
	s7 =	simm.s32 @p2 $0x1082  }
0x22: {  	[simem:s7], [sflag:s8] =	dma.local @!p0 [hbm:s6], $0xF7A  }
0x23: {  	s9 =	sor.u32 $0xD0000000, s2;
	s6 =	simm.s32 $0x108;
	_ =	swait.ge @!p0 [sflag:s8], $0x0  }
0x24: {  	s3 =	sadd.s32 $0x88, s3;
	s6 =	simm.s32 @!p1 $0x1082;
	[sflag:s4] =	ssyncset.s32 $0xFFFFF086  }
0x25: {  	[simem:s6], [sflag:s4] =	dma.local [hbm:s3], $0xF7A  }
0x26: {  	[smem:$0x3F9E] =	sst s1;
	(tag) =	ssettag s2;
	_ =	strace s9  }
0x27: {  	s1 =	sld [smem:$0x3FAE]  }
0x28: {  	s2 =	sld [smem:$0x3FAF]  }
0x29: {  	s4 =	sld [smem:$0x3FB1]  }
0x2a: {  	p0 =	seq.s32 s5, $0x0;
	s5 =	sld [smem:$0x3FB2]  }
0x2b: {  	s6 =	sld [smem:$0x3FB3]  }
0x2c: {  	s7 =	sld [smem:$0x3FB4]  }
0x2d: {  	s3 =	simm.s32 $0x108;
	s8 =	sld [smem:$0x3FB5]  }
0x2e: {  	s3 =	simm.s32 @!p0 $0x1082;
	s9 =	sld [smem:$0x3FB6]  }
0x2f: {  	lr =	sadd.s32 s0, s3;
	s0 =	sld [smem:$0x3FAD]  }
0x30: {  	s3 =	sld [smem:$0x3FB0]  }
0x31: {  	[smem:$0x3FB9] =	sst s10  }
0x32: {  	s10 =	sld [smem:$0x3FB7];
	_ =	sdelay $0x3  }
0x33: {  	p0 =	seq.s32 s10, $0x1;
	s10 =	sld [smem:$0x3FB9];
	_ =	sdelay $0x3  }
0x34: {  	[smem:$0x3FB9] =	sst s10  }
0x35: {  	s10 =	sld [smem:$0x3FB8];
	_ =	sdelay $0x3  }
0x36: {  	p1 =	seq.s32 s10, $0x1;
	s10 =	sld [smem:$0x3FB9];
	_ =	sdelay $0x3  }
0x37: {  	[smem:$0x3FB9] =	sst s10  }
0x38: {  	s10 =	sld [smem:$0x3FBA]  }
0x39: {  	_ = 	snop;
	(pc) =	sbr.ind lr, $3  }
0x3a: {  	_ = 	snop  }
0x3b: {  	_ = 	snop  }
0x3c: {  	p2 =	seq.s32 s10, $0x1;
	s10 =	sld [smem:$0x3FB9]  }
0x3d: {  	_ =	shalt  }
0x3e: {  	_ =	shalt  }
0x3f: {  	_ =	shalt  }
0x40: {  	_ =	shalt  }
0x41: {  	_ =	shalt  }
0x42: {  	_ =	shalt  }
0x43: {  	_ =	shalt  }
0x44: {  	_ =	shalt  }
0x45: {  	_ =	shalt  }
0x46: {  	_ =	shalt  }
0x47: {  	_ =	shalt  }
0x48: {  	_ =	shalt  }
0x49: {  	_ =	shalt  }
0x4a: {  	_ =	shalt  }
0x4b: {  	_ =	shalt  }
0x4c: {  	_ =	shalt  }
0x4d: {  	_ =	shalt  }
0x4e: {  	_ =	shalt  }
0x4f: {  	_ =	shalt  }
0x50: {  	_ =	shalt  }
0x51: {  	_ =	shalt  }
0x52: {  	_ =	shalt  }
0x53: {  	_ =	shalt  }
0x54: {  	_ =	shalt  }
0x55: {  	_ =	shalt  }
0x56: {  	_ =	shalt  }
0x57: {  	_ =	shalt  }
0x58: {  	_ =	shalt  }
0x59: {  	_ =	shalt  }
0x5a: {  	_ =	shalt  }
0x5b: {  	_ =	shalt  }
0x5c: {  	_ =	shalt  }
0x5d: {  	_ =	shalt  }
0x5e: {  	_ =	shalt  }
0x5f: {  	_ =	shalt  }
0x60: {  	_ =	shalt  }
0x61: {  	_ =	shalt  }
0x62: {  	_ =	shalt  }
0x63: {  	_ =	shalt  }
0x64: {  	_ =	shalt  }
0x65: {  	_ =	shalt  }
0x66: {  	_ =	shalt  }
0x67: {  	_ =	shalt  }
0x68: {  	_ =	shalt  }
0x69: {  	_ =	shalt  }
0x6a: {  	_ =	shalt  }
0x6b: {  	_ =	shalt  }
0x6c: {  	_ =	shalt  }
0x6d: {  	_ =	shalt  }
0x6e: {  	_ =	shalt  }
0x6f: {  	_ =	shalt  }
0x70: {  	_ =	shalt  }
0x71: {  	_ =	shalt  }
0x72: {  	_ =	shalt  }
0x73: {  	_ =	shalt  }
0x74: {  	_ =	shalt  }
0x75: {  	_ =	shalt  }
0x76: {  	_ =	shalt  }
0x77: {  	_ =	shalt  }
0x78: {  	_ =	shalt  }
0x79: {  	_ =	shalt  }
0x7a: {  	_ =	shalt  }
0x7b: {  	_ =	shalt  }
0x7c: {  	_ =	shalt  }
0x7d: {  	_ =	shalt  }
0x7e: {  	_ =	shalt  }
0x7f: {  	_ =	shalt  }
0x80: {  	_ =	shalt  }
0x81: {  	_ =	shalt  }
0x82: {  	_ =	shalt  }
0x83: {  	_ =	shalt  }
0x84: {  	_ =	shalt  }
0x85: {  	_ =	shalt  }
0x86: {  	_ =	shalt  }
0x87: {  	_ =	shalt  }
.Lfunc_end0:
.L_simem_size_0:
called_computation_lowered:
.L_overlay_start_0:
0x88: {  	s2 =	sld [smem:$0x3FD9]  }
0x89: {  	s3 =	sld [smem:$0x3FFE];
	_ =	sdelay $0x1  }
0x8a: {  	s1 =	srdreg.scid  }
0x8b: {  	s0 =	sand.u32 $0x1, s1  }
0x8c: {  	s17 =	sshll.u32 s0, $0xA;
	s2 =	sadd.s32 s3, s2  }
0x8d: {  	s2 =	sadd.s32 s2, s17  }
0x8e: {  	[smem:$0x3FC5] =	sst s2  }
0x8f: {  	_ = 	snop  }
0x90: {  	s2 =	sld [smem:$0x3FC8]  }
0x91: {  	s18 =	sld [smem:$0x3FC7]  }
0x92: {  	s4 =	sld [smem:$0x3FD0];
	(tm) =	ssettm $0x1  }
0x93: {  	s5 =	sld [smem:$0x3FFB];
	_ =	sdelay $0x3  }
0x94: {  	_ =	strace s5  }
0x95: {  	s5 =	sld [smem:$0x3FFC];
	_ =	sdelay $0x3  }
0x96: {  	_ =	strace s5  }
0x97: {  	s5 =	sld [smem:$0x3FFD];
	_ =	sdelay $0x3  }
0x98: {  	_ =	strace s5  }
0x99: {  	_ =	strace $0x8FFFFFFF  }
0x9a: {  	s19 =	sld [smem:$0x3FDB];
	_ =	sdelay $0x1  }
0x9b: {  	s6 =	simm.s32 $_scs_section_size  }
0x9c: {  	s7 =	simm.s32 $_size__tile_overlayer_lowered;
	s8 =	simm.s32 $_tile_overlayer_lowered  }
0x9d: {  	s22 =	simm.s32 $0x1BFF;
	s21 =	sshll.u32 s8, $0x1;
	s5 =	sadd.s32 s6, s19  }
0x9e: {  	s9 =	simm.s32 $0x0;
	s20 =	sshll.u32 s7, $0x1;
	s7 =	sadd.s32 s21, s5  }
0x9f: {  	[timem:s9], [sflag:s22] =	dma.local [hbm:s7], s20  }
0xa0: {  	_ =	swait.ge [sflag:s22], s20  }
0xa1: {  	s6 =	ssub.s32 $0x0, s20;
	[sflag:s22] =	ssyncset.done $0x0  }
0xa2: {  	[sflag:s22] =	ssyncadd.s32 s6;
	_ =	sdelay $0x1  }
0xa3: {  	s23 =	simm.s32 $0x1B8B  }
0xa4: {  	_ =	swait.ge [sflag:s23], $0x1  }
0xa5: {  	[sflag:s23] =	ssyncset.done $0x0  }
0xa6: {  	s25 =	simm.s32 $0x1B8E;
	s24 =	sld [smem:$0x3FFE];
	[sflag:s23] =	ssyncadd.s32 $0xFFFFFFFF  }
0xa7: {  	s26 =	simm.s32 $execute0_lowered;
	[smem:$0x3FD2] =	sst s25  }
0xa8: {  	s7 =	sshll.u32 s26, $0x1;
	_ =	strace $0x80000046;
	[dreg:$0x1] =	wrdreg $0xFFFFFFFF  }
0xa9: {  	s28 =	simm.s32 $_size_execute0_lowered;
	s5 =	sadd.s32 s5, s7;
	[dreg:$0x0] =	wrdreg $0x0  }
0xaa: {  	s7 =	sshll.u32 s28, $0x1;
	[dreg:$0x2] =	wrdreg s5  }
0xab: {  	[dreg:$0x3] =	wrdreg s7  }
0xac: {  	[dreg:$0x4] =	wrdreg $0xC0  }
0xad: {  	_ =	task [dreg:s9], $0x5FFFF  }
0xae: {  	[dreg:$0x1] =	wrdreg $0xFFFFFFFF  }
0xaf: {  	[dreg:$0x0] =	wrdreg $0x60  }
0xb0: {  	[dreg:$0x2] =	wrdreg s24  }
0xb1: {  	[dreg:$0x3] =	wrdreg s2  }
0xb2: {  	[dreg:$0x4] =	wrdreg s18  }
0xb3: {  	[dreg:$0x5] =	wrdreg s4  }
0xb4: {  	[dreg:$0x6] =	wrdreg $0x9  }
0xb5: {  	_ =	task.clear_ibuf [dreg:s9], $0x7FFFF;
	_ =	strace $0x90000046  }
0xb6: {  	s29 =	simm.s32 $0x9;
	_ =	strace $0x80000048  }
0xb7: {  	_ =	swait.ge [sflag:s29], $0x1  }
0xb8: {  	[sflag:s29] =	ssyncadd.s32 $0xFFFFFFFF  }
0xb9: {  	_ =	strace $0x90000048  }
0xba: {  	_ =	sfence  }
0xbb: {  	s30 =	sld [smem:$0x0];
	_ =	sdelay $0x2  }
0xbc: {  	s31 =	sshll.u32 s1, $0xD;
	s1 =	sshrl.u32 s1, $0x2  }
0xbd: {  	s3 =	sand.u32 $0x4000, s31;
	s1 =	sadd.s32 s1, s30  }
0xbe: {  	s0 =	sor.u32 s3, s0;
	s1 =	sshll.u32 s1, $0x11  }
0xbf: {  	s0 =	sor.u32 s1, s0  }
0xc0: {  	s0 =	sadd.s32 $0x8F2B, s0  }
0xc1: {  	[sflag:s0] =	ssyncadd.remote.s32 $0x1  }
0xc2: {  	_ =	sfence.sel $0xFFFF  }
0xc3: {  	[dreg:$0x0] =	wrdreg $0xFFFFFFFF;
	(pc) =	sbr.abs _section_cstart, $3  }
0xc4: {  	[dreg:$0x1] =	wrdreg $0xFFFFFFFF  }
0xc5: {  	_ =	task.clear_ibuf [dreg:s9], $0x2FFFF;
	_ =	strace $0x9FFFFFFF  }
0xc6: {  	(tm) =	ssettm $0x7FFFFFFF  }
0xc7: {  	_ =	shalt  }
tec
execute0_lowered:
.L_overlay_start_1:
0x0: {  	(tag) =	ssettag $0x1  }
0x1: {  	s0 =	rddreg [dreg:$0x0]  }
0x2: {  	s2 =	srdreg.scid;
	s1 =	rddreg [dreg:$0x1]  }
0x3: {  	s3 =	stileid.u32;
	s4 =	rddreg [dreg:$0x3];
	s6 =	simm.s32 $0x0  }
0x4: {  	s13 =	simm.s32 $0x68;
	s14 =	simm.s32 $0x6400;
	s15 =	simm.s32 $0x60  }
0x5: {  	s16 =	simm.s32 $0x9800;
	s17 =	simm.s32 $0xC800;
	s18 =	simm.s32 $0xFC00  }
0x6: {  	s19 =	simm.s32 $0x1;
	s20 =	simm.s32 $0x4;
	s21 =	simm.s32 $0x12C00  }
0x7: {  	s22 =	simm.s32 $0x16000;
	s23 =	simm.s32 $0x2;
	s24 =	simm.s32 $0x5  }
0x8: {  	s25 =	simm.s32 $0x7;
	s2 =	sand.u32 $0x1, s2;
	s3 =	sshll.u32 s3, $0x1  }
0x9: {  	s28 =	simm.s32 $0x9;
	s29 =	simm.s32 $0x3;
	s3 =	sor.u32 s2, s3  }
0xa: {  	s30 =	simm.s32 $0x6;
	s2 =	ssub.s32 $0x2, s2;
	s5 =	smul.u32 $0x6400, s3  }
.Ltmp0:
0xb: {  	s31 =	simm.s32 $0x0;
	s7 =	sshrl.u32 s2, $0x1;
	(pc) =	sbr.rel .LBB2_1-.Ltmp0, $4  }
0xc: {  	[smem:$0x7FF] =	sst s6;
	s2 =	ssub.s32 s2, s7;
	s3 =	sshrl.u32 s5, $0x3  }
0xd: {  	s8 =	sadd.s32 $0x680, s4;
	s26 =	smax.u32 s2, $0x1;
	s0 =	sadd.s32 s3, s0  }
0xe: {  	_ =	strace $0x80000047;
	[dreg:$0x6] =	wrdreg s26;
	s0 =	sadd.s32 $0x400, s0  }
0xf: {  	s9 =	sor.u32 $0x190, s5;
	s26 =	simm.s32 $0x8;
	[dreg:$0x5] =	wrdreg s0  }
.LBB2_20:
0x10: {  	_ =	swait.ge [sflag:s26], $0x3400  }
0x11: {  	[sflag:s26] =	ssyncset.done $0x0  }
0x12: {  	[sflag:s26] =	ssyncadd.s32 $0xFFFFCC00  }
0x13: {  	_ =	swait.ge [sflag:s26], $0x3000  }
0x14: {  	[sflag:s26] =	ssyncset.done $0x0  }
0x15: {  	[sflag:s26] =	ssyncadd.s32 $0xFFFFD000  }
0x16: {  	_ =	swait.ge [sflag:s28], $0x3400  }
0x17: {  	[sflag:s28] =	ssyncset.done $0x0  }
0x18: {  	[sflag:s28] =	ssyncadd.s32 $0xFFFFCC00  }
0x19: {  	_ =	swait.ge [sflag:s28], $0x3000  }
0x1a: {  	s31 =	sadd.s32 $0x1, s31;
	s0 =	rddreg [dreg:$0x6]  }
0x1b: {  	p0 =	sne.s32 s31, s0  }
.Ltmp1:
0x1c: {  	_ = 	snop;
	(pc) =	sbr.rel @!p0 .LBB2_21-.Ltmp1, $3  }
0x1d: {  	_ =	sdelay $0x1  }
0x1e: {  	[sflag:s28] =	ssyncset.done $0x0  }
0x1f: {  	[sflag:s28] =	ssyncadd.s32 $0xFFFFD000  }
.LBB2_1:
0x20: {  	s0 =	rddreg [dreg:$0x5];
	s2 =	simm.s32 $0xA  }
0x21: {  	[tilespmem:s6], [sflag:$0xA] =	stream.linear.gather [hbm4b:s0+s6], $0x6400, $0x38;
	[tilespmem:$0x1F400] =	vst v63  }
0x22: {  	_ =	swait.ge [sflag:s2], $0x6400  }
0x23: {  	[sflag:s2] =	ssyncset.done $0x0  }
0x24: {  	[sflag:s2] =	ssyncadd.s32 $0xFFFF9C00  }
0x25: {  	s3 =	simm.s32 $0x19000;
	s12 =	rddreg [dreg:$0x2]  }
0x26: {  	[tilespmem:s3], [sflag:$0xA] =	stream.linear.gather [hbm4b:s12+s6], $0x6400, $0x38;
	[tilespmem:$0x1F400] =	vst v63  }
0x27: {  	_ =	swait.ge [sflag:s2], $0x6400  }
0x28: {  	[sflag:s2] =	ssyncset.done $0x0  }
0x29: {  	[sflag:s2] =	ssyncadd.s32 $0xFFFF9C00  }
0x2a: {  	[tilespmem:s14], [sflag:$0x1] =	stream.indirect.gather [hbm4b:s1+s13], $0x80, s6, s13, $0xb8;
	[tilespmem:$0x1F400] =	vst v63  }
0x2b: {  	s2 =	simm.s32 $0x0  }
0x2c: {  	[tilespmem:s16], [sflag:$0x4] =	stream.indirect.gather [hbm4b:s1+s15], $0x80, s13, s15, $0xb8;
	[tilespmem:$0x1F400] =	vst v63  }
.LBB2_2:
0x2d: {  	p0 =	seq.s32 s2, $0x0  }
0x2e: {  	s3 =	simm.s32 @!p0 $0x8  }
0x2f: {  	_ =	swait.ge @!p0 [sflag:s3], $0x3400  }
0x30: {  	[sflag:s3] =	ssyncset.done @!p0 $0x0  }
0x31: {  	[sflag:s3] =	ssyncadd.s32 @!p0 $0xFFFFCC00  }
0x32: {  	s0 =	smul.u32 $0x258, s2;
	_ =	swait.ge @!p0 [sflag:s3], $0x3000  }
0x33: {  	[sflag:s3] =	ssyncset.done @!p0 $0x0  }
0x34: {  	[sflag:s3] =	ssyncadd.s32 @!p0 $0xFFFFD000;
	s3 =	sadd.s32 $0xC8, s0  }
0x35: {  	[tilespmem:s17], [sflag:$0x2] =	stream.indirect.gather [hbm4b:s1+s13], $0x80, s3, s13, $0xb8;
	[tilespmem:$0x1F400] =	vst v63  }
0x36: {  	s7 =	sadd.s32 $0x130, s0  }
0x37: {  	[tilespmem:s18], [sflag:$0x5] =	stream.indirect.gather [hbm4b:s1+s15], $0x80, s7, s15, $0xb8;
	[tilespmem:$0x1F400] =	vst v63  }
0x38: {  	_ =	swait.ge [sflag:s19], $0x3400  }
0x39: {  	[sflag:s19] =	ssyncset.done $0x0  }
0x3a: {  	s7 =	simm.s32 $0x0;
	[sflag:s19] =	ssyncadd.s32 $0xFFFFCC00  }
0x3b: {  	v7 =	vld [tilespmem:s7+$0x19000]  }
0x3c: {  	v11 =	vld [tilespmem:s7+$0x19010]  }
0x3d: {  	v5 =	vld [tilespmem:s7+$0x19020]  }
0x3e: {  	v4 =	vld [tilespmem:s7+$0x19030]  }
0x3f: {  	v3 =	vld [tilespmem:s7+$0x19040]  }
0x40: {  	v2 =	vld [tilespmem:s7+$0x19050]  }
0x41: {  	v1 =	vld [tilespmem:s7+$0x19060]  }
0x42: {  	v0 =	vld [tilespmem:s7+$0x19070]  }
0x43: {  	v12 =	vld [tilespmem:s7+$0x6400]  }
0x44: {  	v13 =	vld [tilespmem:s7+$0x6410]  }
0x45: {  	v10 =	vld [tilespmem:s7+$0x6420]  }
0x46: {  	v9 =	vld [tilespmem:s7+$0x6430]  }
0x47: {  	v8 =	vld [tilespmem:s7+$0x6440]  }
0x48: {  	v6 =	vld [tilespmem:s7+$0x6450];
	v12 =	vadd.f32 v7, v12  }
0x49: {  	s12 =	simm.s32 $0x200;
	v11 =	vadd.f32 v11, v13;
	v7 =	vld [tilespmem:s7+$0x6460]  }
.LBB2_3:
0x4a: {  	s10 =	sshra.s32 s12, $0x2;
	p1 =	sne.s32 s12, $0xCE00;
	[tilespmem:s7+$0x6400] =	vst v12;
	v5 =	vadd.f32 v5, v10;
	v10 =	vld [tilespmem:s7+$0x6470]  }
0x4b: {  	v12 =	vld [tilespmem:s10+$0x19000];
	[tilespmem:s7+$0x6410] =	vst v11;
	v4 =	vadd.f32 v4, v9  }
0x4c: {  	v11 =	vld [tilespmem:s10+$0x19010];
	[tilespmem:s7+$0x6420] =	vst v5;
	v3 =	vadd.f32 v3, v8  }
0x4d: {  	v5 =	vld [tilespmem:s10+$0x19020];
	[tilespmem:s7+$0x6430] =	vst v4;
	v2 =	vadd.f32 v2, v6  }
0x4e: {  	v4 =	vld [tilespmem:s10+$0x19030];
	[tilespmem:s7+$0x6440] =	vst v3;
	v1 =	vadd.f32 v1, v7  }
0x4f: {  	v3 =	vld [tilespmem:s10+$0x19040];
	[tilespmem:s7+$0x6450] =	vst v2;
	v0 =	vadd.f32 v0, v10  }
0x50: {  	v2 =	vld [tilespmem:s10+$0x19050];
	[tilespmem:s7+$0x6460] =	vst v1  }
0x51: {  	v1 =	vld [tilespmem:s10+$0x19060];
	[tilespmem:s7+$0x6470] =	vst v0;
	s7 =	smov.u32 s10  }
0x52: {  	v0 =	vld [tilespmem:s7+$0x19070]  }
0x53: {  	v6 =	vld [tilespmem:s7+$0x6400]  }
0x54: {  	v7 =	vld [tilespmem:s7+$0x6410]  }
.Ltmp2:
0x55: {  	v10 =	vld [tilespmem:s7+$0x6420];
	(pc) =	sbr.rel @p1 .LBB2_3-.Ltmp2, $4  }
0x56: {  	v9 =	vld [tilespmem:s7+$0x6430]  }
0x57: {  	v8 =	vld [tilespmem:s7+$0x6440]  }
0x58: {  	v12 =	vadd.f32 v12, v6;
	v6 =	vld [tilespmem:s7+$0x6450]  }
0x59: {  	s12 =	sadd.s32 $0x200, s12;
	v11 =	vadd.f32 v11, v7;
	v7 =	vld [tilespmem:s7+$0x6460]  }
0x5a: {  	[tilespmem:s7+$0x6400] =	vst v12;
	v5 =	vadd.f32 v5, v10;
	v10 =	vld [tilespmem:s7+$0x6470]  }
0x5b: {  	[tilespmem:s7+$0x6410] =	vst v11;
	v4 =	vadd.f32 v4, v9  }
0x5c: {  	[tilespmem:s7+$0x6420] =	vst v5;
	v3 =	vadd.f32 v3, v8  }
0x5d: {  	[tilespmem:s7+$0x6430] =	vst v4;
	v2 =	vadd.f32 v2, v6  }
0x5e: {  	[tilespmem:s7+$0x6440] =	vst v3;
	v1 =	vadd.f32 v1, v7  }
0x5f: {  	s10 =	sadd.s32 s5, s0;
	[tilespmem:s7+$0x6450] =	vst v2;
	v0 =	vadd.f32 v0, v10  }
0x60: {  	s12 =	sshll.u32 s10, $0x4;
	[tilespmem:s7+$0x6460] =	vst v1  }
0x61: {  	s11 =	simm.s32 $0x0;
	s10 =	sadd.s32 s4, s12;
	[tilespmem:s7+$0x6470] =	vst v0  }
0x62: {  	[hbm4b:s10+s11] =	stream.linear.scatter [tilespmem:s14], [sflag:$0x7], $0x3400, $0x38;
	[tilespmem:$0x1F400] =	vst v63  }
0x63: {  	_ =	swait.ge [sflag:s20], $0x3000  }
0x64: {  	[sflag:s20] =	ssyncset.done $0x0  }
0x65: {  	s7 =	simm.s32 $0x0;
	[sflag:s20] =	ssyncadd.s32 $0xFFFFD000  }
0x66: {  	v7 =	vld [tilespmem:s7+$0x1C400]  }
0x67: {  	v11 =	vld [tilespmem:s7+$0x1C410]  }
0x68: {  	v5 =	vld [tilespmem:s7+$0x1C420]  }
0x69: {  	v4 =	vld [tilespmem:s7+$0x1C430]  }
0x6a: {  	v3 =	vld [tilespmem:s7+$0x1C440]  }
0x6b: {  	v2 =	vld [tilespmem:s7+$0x1C450]  }
0x6c: {  	v1 =	vld [tilespmem:s7+$0x1C460]  }
0x6d: {  	v0 =	vld [tilespmem:s7+$0x1C470]  }
0x6e: {  	v12 =	vld [tilespmem:s7+$0x9800]  }
0x6f: {  	v13 =	vld [tilespmem:s7+$0x9810]  }
0x70: {  	v10 =	vld [tilespmem:s7+$0x9820]  }
0x71: {  	v9 =	vld [tilespmem:s7+$0x9830]  }
0x72: {  	v8 =	vld [tilespmem:s7+$0x9840]  }
0x73: {  	v6 =	vld [tilespmem:s7+$0x9850];
	v12 =	vadd.f32 v7, v12  }
0x74: {  	s10 =	simm.s32 $0x200;
	v11 =	vadd.f32 v11, v13;
	v7 =	vld [tilespmem:s7+$0x9860]  }
.LBB2_5:
0x75: {  	s11 =	sshra.s32 s10, $0x2;
	p1 =	sne.s32 s10, $0xBE00;
	[tilespmem:s7+$0x9800] =	vst v12;
	v5 =	vadd.f32 v5, v10;
	v10 =	vld [tilespmem:s7+$0x9870]  }
0x76: {  	v12 =	vld [tilespmem:s11+$0x1C400];
	[tilespmem:s7+$0x9810] =	vst v11;
	v4 =	vadd.f32 v4, v9  }
0x77: {  	v11 =	vld [tilespmem:s11+$0x1C410];
	[tilespmem:s7+$0x9820] =	vst v5;
	v3 =	vadd.f32 v3, v8  }
0x78: {  	v5 =	vld [tilespmem:s11+$0x1C420];
	[tilespmem:s7+$0x9830] =	vst v4;
	v2 =	vadd.f32 v2, v6  }
0x79: {  	v4 =	vld [tilespmem:s11+$0x1C430];
	[tilespmem:s7+$0x9840] =	vst v3;
	v1 =	vadd.f32 v1, v7  }
0x7a: {  	v3 =	vld [tilespmem:s11+$0x1C440];
	[tilespmem:s7+$0x9850] =	vst v2;
	v0 =	vadd.f32 v0, v10  }
0x7b: {  	v2 =	vld [tilespmem:s11+$0x1C450];
	[tilespmem:s7+$0x9860] =	vst v1  }
0x7c: {  	v1 =	vld [tilespmem:s11+$0x1C460];
	[tilespmem:s7+$0x9870] =	vst v0;
	s7 =	smov.u32 s11  }
0x7d: {  	v0 =	vld [tilespmem:s7+$0x1C470]  }
0x7e: {  	v6 =	vld [tilespmem:s7+$0x9800]  }
0x7f: {  	v7 =	vld [tilespmem:s7+$0x9810]  }
.Ltmp3:
0x80: {  	v10 =	vld [tilespmem:s7+$0x9820];
	(pc) =	sbr.rel @p1 .LBB2_5-.Ltmp3, $4  }
0x81: {  	v9 =	vld [tilespmem:s7+$0x9830]  }
0x82: {  	v8 =	vld [tilespmem:s7+$0x9840]  }
0x83: {  	v12 =	vadd.f32 v12, v6;
	v6 =	vld [tilespmem:s7+$0x9850]  }
0x84: {  	s10 =	sadd.s32 $0x200, s10;
	v11 =	vadd.f32 v11, v7;
	v7 =	vld [tilespmem:s7+$0x9860]  }
0x85: {  	[tilespmem:s7+$0x9800] =	vst v12;
	v5 =	vadd.f32 v5, v10;
	v63 =	vld [tilespmem:s7+$0x9870]  }
0x86: {  	[tilespmem:s7+$0x9810] =	vst v11;
	v4 =	vadd.f32 v4, v9  }
0x87: {  	[tilespmem:s7+$0x9820] =	vst v5;
	v3 =	vadd.f32 v3, v8  }
0x88: {  	[tilespmem:s7+$0x9830] =	vst v4;
	v2 =	vadd.f32 v2, v6  }
.Ltmp4:
0x89: {  	[tilespmem:s7+$0x9840] =	vst v3;
	v1 =	vadd.f32 v1, v7;
	(pc) =	sbr.rel @p0 .LBB2_9-.Ltmp4, $4  }
0x8a: {  	[tilespmem:s7+$0x9850] =	vst v2;
	v0 =	vadd.f32 v0, v63  }
0x8b: {  	[tilespmem:s7+$0x9860] =	vst v1  }
0x8c: {  	s12 =	sadd.s32 s12, s8;
	[tilespmem:s7+$0x9870] =	vst v0  }
0x8d: {  	[hbm4b:s12+s6] =	stream.linear.scatter [tilespmem:s16], [sflag:$0x7], $0x3000, $0x38;
	[tilespmem:$0x1F400] =	vst v63  }
0x8e: {  	p0 =	seq.s32 s2, $0x2A  }
.Ltmp5:
0x8f: {  	_ = 	snop;
	(pc) =	sbr.rel @p0 .LBB2_10-.Ltmp5, $1  }
0x90: {  	_ =	sdelay $0x3  }
0x91: {  	_ =	swait.ge [sflag:s28], $0x3400  }
0x92: {  	[sflag:s28] =	ssyncset.done $0x0  }
0x93: {  	[sflag:s28] =	ssyncadd.s32 $0xFFFFCC00  }
0x94: {  	_ =	swait.ge [sflag:s28], $0x3000  }
0x95: {  	[sflag:s28] =	ssyncset.done $0x0  }
0x96: {  	[sflag:s28] =	ssyncadd.s32 $0xFFFFD000  }
.LBB2_9:
0x97: {  	s7 =	sadd.s32 $0x190, s0  }
0x98: {  	[tilespmem:s21], [sflag:$0x3] =	stream.indirect.gather [hbm4b:s1+s13], $0x80, s7, s13, $0xb8;
	[tilespmem:$0x1F400] =	vst v63  }
0x99: {  	s12 =	sadd.s32 $0x1F8, s0  }
0x9a: {  	[tilespmem:s22], [sflag:$0x6] =	stream.indirect.gather [hbm4b:s1+s15], $0x80, s12, s15, $0xb8;
	[tilespmem:$0x1F400] =	vst v63  }
.LBB2_10:
0x9b: {  	_ =	swait.ge [sflag:s23], $0x3400  }
0x9c: {  	[sflag:s23] =	ssyncset.done $0x0  }
0x9d: {  	s7 =	simm.s32 $0x0;
	[sflag:s23] =	ssyncadd.s32 $0xFFFFCC00  }
0x9e: {  	v7 =	vld [tilespmem:s7+$0x19000]  }
0x9f: {  	v11 =	vld [tilespmem:s7+$0x19010]  }
0xa0: {  	v5 =	vld [tilespmem:s7+$0x19020]  }
0xa1: {  	v4 =	vld [tilespmem:s7+$0x19030]  }
0xa2: {  	v3 =	vld [tilespmem:s7+$0x19040]  }
0xa3: {  	v2 =	vld [tilespmem:s7+$0x19050]  }
0xa4: {  	v1 =	vld [tilespmem:s7+$0x19060]  }
0xa5: {  	v0 =	vld [tilespmem:s7+$0x19070]  }
0xa6: {  	v12 =	vld [tilespmem:s7+$0xC800]  }
0xa7: {  	v13 =	vld [tilespmem:s7+$0xC810]  }
0xa8: {  	v10 =	vld [tilespmem:s7+$0xC820]  }
0xa9: {  	v9 =	vld [tilespmem:s7+$0xC830]  }
0xaa: {  	v8 =	vld [tilespmem:s7+$0xC840]  }
0xab: {  	v6 =	vld [tilespmem:s7+$0xC850];
	v12 =	vadd.f32 v7, v12  }
0xac: {  	s10 =	simm.s32 $0x200;
	v11 =	vadd.f32 v11, v13;
	v7 =	vld [tilespmem:s7+$0xC860]  }
.LBB2_11:
0xad: {  	s11 =	sshra.s32 s10, $0x2;
	p0 =	sne.s32 s10, $0xCE00;
	[tilespmem:s7+$0xC800] =	vst v12;
	v5 =	vadd.f32 v5, v10;
	v10 =	vld [tilespmem:s7+$0xC870]  }
0xae: {  	v12 =	vld [tilespmem:s11+$0x19000];
	[tilespmem:s7+$0xC810] =	vst v11;
	v4 =	vadd.f32 v4, v9  }
0xaf: {  	v11 =	vld [tilespmem:s11+$0x19010];
	[tilespmem:s7+$0xC820] =	vst v5;
	v3 =	vadd.f32 v3, v8  }
0xb0: {  	v5 =	vld [tilespmem:s11+$0x19020];
	[tilespmem:s7+$0xC830] =	vst v4;
	v2 =	vadd.f32 v2, v6  }
0xb1: {  	v4 =	vld [tilespmem:s11+$0x19030];
	[tilespmem:s7+$0xC840] =	vst v3;
	v1 =	vadd.f32 v1, v7  }
0xb2: {  	v3 =	vld [tilespmem:s11+$0x19040];
	[tilespmem:s7+$0xC850] =	vst v2;
	v0 =	vadd.f32 v0, v10  }
0xb3: {  	v2 =	vld [tilespmem:s11+$0x19050];
	[tilespmem:s7+$0xC860] =	vst v1  }
0xb4: {  	v1 =	vld [tilespmem:s11+$0x19060];
	[tilespmem:s7+$0xC870] =	vst v0;
	s7 =	smov.u32 s11  }
0xb5: {  	v0 =	vld [tilespmem:s7+$0x19070]  }
0xb6: {  	v6 =	vld [tilespmem:s7+$0xC800]  }
0xb7: {  	v7 =	vld [tilespmem:s7+$0xC810]  }
.Ltmp6:
0xb8: {  	v10 =	vld [tilespmem:s7+$0xC820];
	(pc) =	sbr.rel @p0 .LBB2_11-.Ltmp6, $4  }
0xb9: {  	v9 =	vld [tilespmem:s7+$0xC830]  }
0xba: {  	v8 =	vld [tilespmem:s7+$0xC840]  }
0xbb: {  	v12 =	vadd.f32 v12, v6;
	v6 =	vld [tilespmem:s7+$0xC850]  }
0xbc: {  	s10 =	sadd.s32 $0x200, s10;
	v11 =	vadd.f32 v11, v7;
	v7 =	vld [tilespmem:s7+$0xC860]  }
0xbd: {  	[tilespmem:s7+$0xC800] =	vst v12;
	v5 =	vadd.f32 v5, v10;
	v10 =	vld [tilespmem:s7+$0xC870]  }
0xbe: {  	[tilespmem:s7+$0xC810] =	vst v11;
	v4 =	vadd.f32 v4, v9  }
0xbf: {  	[tilespmem:s7+$0xC820] =	vst v5;
	v3 =	vadd.f32 v3, v8  }
0xc0: {  	[tilespmem:s7+$0xC830] =	vst v4;
	v2 =	vadd.f32 v2, v6  }
0xc1: {  	[tilespmem:s7+$0xC840] =	vst v3;
	v1 =	vadd.f32 v1, v7  }
0xc2: {  	s3 =	sadd.s32 s5, s3;
	[tilespmem:s7+$0xC850] =	vst v2;
	v0 =	vadd.f32 v0, v10  }
0xc3: {  	s3 =	sshll.u32 s3, $0x4;
	[tilespmem:s7+$0xC860] =	vst v1  }
0xc4: {  	s10 =	simm.s32 $0x0;
	s12 =	sadd.s32 s4, s3;
	[tilespmem:s7+$0xC870] =	vst v0  }
0xc5: {  	[hbm4b:s12+s10] =	stream.linear.scatter [tilespmem:s17], [sflag:$0x8], $0x3400, $0x38;
	[tilespmem:$0x1F400] =	vst v63  }
0xc6: {  	_ =	swait.ge [sflag:s24], $0x3000  }
0xc7: {  	[sflag:s24] =	ssyncset.done $0x0  }
0xc8: {  	s7 =	simm.s32 $0x0;
	[sflag:s24] =	ssyncadd.s32 $0xFFFFD000  }
0xc9: {  	v7 =	vld [tilespmem:s7+$0x1C400]  }
0xca: {  	v11 =	vld [tilespmem:s7+$0x1C410]  }
0xcb: {  	v5 =	vld [tilespmem:s7+$0x1C420]  }
0xcc: {  	v4 =	vld [tilespmem:s7+$0x1C430]  }
0xcd: {  	v3 =	vld [tilespmem:s7+$0x1C440]  }
0xce: {  	v2 =	vld [tilespmem:s7+$0x1C450]  }
0xcf: {  	v1 =	vld [tilespmem:s7+$0x1C460]  }
0xd0: {  	v0 =	vld [tilespmem:s7+$0x1C470]  }
0xd1: {  	v12 =	vld [tilespmem:s7+$0xFC00]  }
0xd2: {  	v13 =	vld [tilespmem:s7+$0xFC10]  }
0xd3: {  	v10 =	vld [tilespmem:s7+$0xFC20]  }
0xd4: {  	v9 =	vld [tilespmem:s7+$0xFC30]  }
0xd5: {  	v8 =	vld [tilespmem:s7+$0xFC40]  }
0xd6: {  	v6 =	vld [tilespmem:s7+$0xFC50];
	v12 =	vadd.f32 v7, v12  }
0xd7: {  	s10 =	simm.s32 $0x200;
	v11 =	vadd.f32 v11, v13;
	v7 =	vld [tilespmem:s7+$0xFC60]  }
.LBB2_13:
0xd8: {  	s11 =	sshra.s32 s10, $0x2;
	p0 =	sne.s32 s10, $0xBE00;
	[tilespmem:s7+$0xFC00] =	vst v12;
	v5 =	vadd.f32 v5, v10;
	v10 =	vld [tilespmem:s7+$0xFC70]  }
0xd9: {  	v12 =	vld [tilespmem:s11+$0x1C400];
	[tilespmem:s7+$0xFC10] =	vst v11;
	v4 =	vadd.f32 v4, v9  }
0xda: {  	v11 =	vld [tilespmem:s11+$0x1C410];
	[tilespmem:s7+$0xFC20] =	vst v5;
	v3 =	vadd.f32 v3, v8  }
0xdb: {  	v5 =	vld [tilespmem:s11+$0x1C420];
	[tilespmem:s7+$0xFC30] =	vst v4;
	v2 =	vadd.f32 v2, v6  }
0xdc: {  	v4 =	vld [tilespmem:s11+$0x1C430];
	[tilespmem:s7+$0xFC40] =	vst v3;
	v1 =	vadd.f32 v1, v7  }
0xdd: {  	v3 =	vld [tilespmem:s11+$0x1C440];
	[tilespmem:s7+$0xFC50] =	vst v2;
	v0 =	vadd.f32 v0, v10  }
0xde: {  	v2 =	vld [tilespmem:s11+$0x1C450];
	[tilespmem:s7+$0xFC60] =	vst v1  }
0xdf: {  	v1 =	vld [tilespmem:s11+$0x1C460];
	[tilespmem:s7+$0xFC70] =	vst v0;
	s7 =	smov.u32 s11  }
0xe0: {  	v0 =	vld [tilespmem:s7+$0x1C470]  }
0xe1: {  	v6 =	vld [tilespmem:s7+$0xFC00]  }
0xe2: {  	v7 =	vld [tilespmem:s7+$0xFC10]  }
.Ltmp7:
0xe3: {  	v10 =	vld [tilespmem:s7+$0xFC20];
	(pc) =	sbr.rel @p0 .LBB2_13-.Ltmp7, $4  }
0xe4: {  	v9 =	vld [tilespmem:s7+$0xFC30]  }
0xe5: {  	v8 =	vld [tilespmem:s7+$0xFC40]  }
0xe6: {  	v12 =	vadd.f32 v12, v6;
	v6 =	vld [tilespmem:s7+$0xFC50]  }
0xe7: {  	s10 =	sadd.s32 $0x200, s10;
	v11 =	vadd.f32 v11, v7;
	v7 =	vld [tilespmem:s7+$0xFC60]  }
0xe8: {  	[tilespmem:s7+$0xFC00] =	vst v12;
	v5 =	vadd.f32 v5, v10;
	v63 =	vld [tilespmem:s7+$0xFC70]  }
0xe9: {  	[tilespmem:s7+$0xFC10] =	vst v11;
	v4 =	vadd.f32 v4, v9  }
0xea: {  	[tilespmem:s7+$0xFC20] =	vst v5;
	v3 =	vadd.f32 v3, v8  }
0xeb: {  	[tilespmem:s7+$0xFC30] =	vst v4;
	v2 =	vadd.f32 v2, v6  }
0xec: {  	[tilespmem:s7+$0xFC40] =	vst v3;
	v1 =	vadd.f32 v1, v7  }
0xed: {  	[tilespmem:s7+$0xFC50] =	vst v2;
	v0 =	vadd.f32 v0, v63  }
0xee: {  	[tilespmem:s7+$0xFC60] =	vst v1  }
0xef: {  	s3 =	sadd.s32 s3, s8;
	[tilespmem:s7+$0xFC70] =	vst v0  }
0xf0: {  	[hbm4b:s3+s6] =	stream.linear.scatter [tilespmem:s18], [sflag:$0x8], $0x3000, $0x38;
	[tilespmem:$0x1F400] =	vst v63  }
0xf1: {  	p0 =	seq.s32 s2, $0x2A;
	_ =	swait.ge [sflag:s25], $0x3400  }
.Ltmp8:
0xf2: {  	[sflag:s25] =	ssyncset.done $0x0;
	(pc) =	sbr.rel @p0 .LBB2_20-.Ltmp8, $4  }
0xf3: {  	[sflag:s25] =	ssyncadd.s32 $0xFFFFCC00  }
0xf4: {  	_ =	swait.ge [sflag:s25], $0x3000  }
0xf5: {  	[sflag:s25] =	ssyncset.done $0x0  }
0xf6: {  	[sflag:s25] =	ssyncadd.s32 $0xFFFFD000  }
0xf7: {  	s3 =	sadd.s32 $0x258, s0  }
0xf8: {  	[tilespmem:s14], [sflag:$0x1] =	stream.indirect.gather [hbm4b:s1+s13], $0x80, s3, s13, $0xb8;
	[tilespmem:$0x1F400] =	vst v63  }
0xf9: {  	s12 =	sadd.s32 $0x2C0, s0  }
0xfa: {  	[tilespmem:s16], [sflag:$0x4] =	stream.indirect.gather [hbm4b:s1+s15], $0x80, s12, s15, $0xb8;
	[tilespmem:$0x1F400] =	vst v63  }
0xfb: {  	_ =	swait.ge [sflag:s29], $0x3400  }
0xfc: {  	[sflag:s29] =	ssyncset.done $0x0  }
0xfd: {  	s3 =	simm.s32 $0x0;
	[sflag:s29] =	ssyncadd.s32 $0xFFFFCC00  }
0xfe: {  	v7 =	vld [tilespmem:s3+$0x19000]  }
0xff: {  	v11 =	vld [tilespmem:s3+$0x19010]  }
0x100: {  	v5 =	vld [tilespmem:s3+$0x19020]  }
0x101: {  	v4 =	vld [tilespmem:s3+$0x19030]  }
0x102: {  	v3 =	vld [tilespmem:s3+$0x19040]  }
0x103: {  	v2 =	vld [tilespmem:s3+$0x19050]  }
0x104: {  	v1 =	vld [tilespmem:s3+$0x19060]  }
0x105: {  	v0 =	vld [tilespmem:s3+$0x19070]  }
0x106: {  	v12 =	vld [tilespmem:s3+$0x12C00]  }
0x107: {  	v13 =	vld [tilespmem:s3+$0x12C10]  }
0x108: {  	v10 =	vld [tilespmem:s3+$0x12C20]  }
0x109: {  	v9 =	vld [tilespmem:s3+$0x12C30]  }
0x10a: {  	v8 =	vld [tilespmem:s3+$0x12C40]  }
0x10b: {  	v6 =	vld [tilespmem:s3+$0x12C50];
	v12 =	vadd.f32 v7, v12  }
0x10c: {  	s7 =	simm.s32 $0x200;
	v11 =	vadd.f32 v11, v13;
	v7 =	vld [tilespmem:s3+$0x12C60]  }
.LBB2_16:
0x10d: {  	s10 =	sshra.s32 s7, $0x2;
	p0 =	sne.s32 s7, $0xCE00;
	[tilespmem:s3+$0x12C00] =	vst v12;
	v5 =	vadd.f32 v5, v10;
	v10 =	vld [tilespmem:s3+$0x12C70]  }
0x10e: {  	v12 =	vld [tilespmem:s10+$0x19000];
	[tilespmem:s3+$0x12C10] =	vst v11;
	v4 =	vadd.f32 v4, v9  }
0x10f: {  	v11 =	vld [tilespmem:s10+$0x19010];
	[tilespmem:s3+$0x12C20] =	vst v5;
	v3 =	vadd.f32 v3, v8  }
0x110: {  	v5 =	vld [tilespmem:s10+$0x19020];
	[tilespmem:s3+$0x12C30] =	vst v4;
	v2 =	vadd.f32 v2, v6  }
0x111: {  	v4 =	vld [tilespmem:s10+$0x19030];
	[tilespmem:s3+$0x12C40] =	vst v3;
	v1 =	vadd.f32 v1, v7  }
0x112: {  	v3 =	vld [tilespmem:s10+$0x19040];
	[tilespmem:s3+$0x12C50] =	vst v2;
	v0 =	vadd.f32 v0, v10  }
0x113: {  	v2 =	vld [tilespmem:s10+$0x19050];
	[tilespmem:s3+$0x12C60] =	vst v1  }
0x114: {  	v1 =	vld [tilespmem:s10+$0x19060];
	[tilespmem:s3+$0x12C70] =	vst v0;
	s3 =	smov.u32 s10  }
0x115: {  	v0 =	vld [tilespmem:s3+$0x19070]  }
0x116: {  	v6 =	vld [tilespmem:s3+$0x12C00]  }
0x117: {  	v7 =	vld [tilespmem:s3+$0x12C10]  }
.Ltmp9:
0x118: {  	v10 =	vld [tilespmem:s3+$0x12C20];
	(pc) =	sbr.rel @p0 .LBB2_16-.Ltmp9, $4  }
0x119: {  	v9 =	vld [tilespmem:s3+$0x12C30]  }
0x11a: {  	v8 =	vld [tilespmem:s3+$0x12C40]  }
0x11b: {  	v12 =	vadd.f32 v12, v6;
	v6 =	vld [tilespmem:s3+$0x12C50]  }
0x11c: {  	s7 =	sadd.s32 $0x200, s7;
	v11 =	vadd.f32 v11, v7;
	v7 =	vld [tilespmem:s3+$0x12C60]  }
0x11d: {  	[tilespmem:s3+$0x12C00] =	vst v12;
	v5 =	vadd.f32 v5, v10;
	v10 =	vld [tilespmem:s3+$0x12C70]  }
0x11e: {  	[tilespmem:s3+$0x12C10] =	vst v11;
	v4 =	vadd.f32 v4, v9  }
0x11f: {  	[tilespmem:s3+$0x12C20] =	vst v5;
	v3 =	vadd.f32 v3, v8  }
0x120: {  	[tilespmem:s3+$0x12C30] =	vst v4;
	v2 =	vadd.f32 v2, v6  }
0x121: {  	[tilespmem:s3+$0x12C40] =	vst v3;
	v1 =	vadd.f32 v1, v7  }
0x122: {  	s0 =	sadd.s32 s0, s9;
	[tilespmem:s3+$0x12C50] =	vst v2;
	v0 =	vadd.f32 v0, v10  }
0x123: {  	s0 =	sshll.u32 s0, $0x4;
	[tilespmem:s3+$0x12C60] =	vst v1  }
0x124: {  	s7 =	simm.s32 $0x0;
	s12 =	sadd.s32 s4, s0;
	[tilespmem:s3+$0x12C70] =	vst v0  }
0x125: {  	[hbm4b:s12+s7] =	stream.linear.scatter [tilespmem:s21], [sflag:$0x9], $0x3400, $0x38;
	[tilespmem:$0x1F400] =	vst v63  }
0x126: {  	_ =	swait.ge [sflag:s30], $0x3000  }
0x127: {  	[sflag:s30] =	ssyncset.done $0x0  }
0x128: {  	s3 =	simm.s32 $0x0;
	[sflag:s30] =	ssyncadd.s32 $0xFFFFD000  }
0x129: {  	v7 =	vld [tilespmem:s3+$0x1C400]  }
0x12a: {  	v11 =	vld [tilespmem:s3+$0x1C410]  }
0x12b: {  	v5 =	vld [tilespmem:s3+$0x1C420]  }
0x12c: {  	v4 =	vld [tilespmem:s3+$0x1C430]  }
0x12d: {  	v3 =	vld [tilespmem:s3+$0x1C440]  }
0x12e: {  	v2 =	vld [tilespmem:s3+$0x1C450]  }
0x12f: {  	v1 =	vld [tilespmem:s3+$0x1C460]  }
0x130: {  	v0 =	vld [tilespmem:s3+$0x1C470]  }
0x131: {  	v12 =	vld [tilespmem:s3+$0x16000]  }
0x132: {  	v13 =	vld [tilespmem:s3+$0x16010]  }
0x133: {  	v10 =	vld [tilespmem:s3+$0x16020]  }
0x134: {  	v9 =	vld [tilespmem:s3+$0x16030]  }
0x135: {  	v8 =	vld [tilespmem:s3+$0x16040]  }
0x136: {  	v6 =	vld [tilespmem:s3+$0x16050];
	v12 =	vadd.f32 v7, v12  }
0x137: {  	s7 =	simm.s32 $0x200;
	v11 =	vadd.f32 v11, v13;
	v7 =	vld [tilespmem:s3+$0x16060]  }
.LBB2_18:
0x138: {  	s10 =	sshra.s32 s7, $0x2;
	p0 =	sne.s32 s7, $0xBE00;
	[tilespmem:s3+$0x16000] =	vst v12;
	v5 =	vadd.f32 v5, v10;
	v10 =	vld [tilespmem:s3+$0x16070]  }
0x139: {  	v12 =	vld [tilespmem:s10+$0x1C400];
	[tilespmem:s3+$0x16010] =	vst v11;
	v4 =	vadd.f32 v4, v9  }
0x13a: {  	v11 =	vld [tilespmem:s10+$0x1C410];
	[tilespmem:s3+$0x16020] =	vst v5;
	v3 =	vadd.f32 v3, v8  }
0x13b: {  	v5 =	vld [tilespmem:s10+$0x1C420];
	[tilespmem:s3+$0x16030] =	vst v4;
	v2 =	vadd.f32 v2, v6  }
0x13c: {  	v4 =	vld [tilespmem:s10+$0x1C430];
	[tilespmem:s3+$0x16040] =	vst v3;
	v1 =	vadd.f32 v1, v7  }
0x13d: {  	v3 =	vld [tilespmem:s10+$0x1C440];
	[tilespmem:s3+$0x16050] =	vst v2;
	v0 =	vadd.f32 v0, v10  }
0x13e: {  	v2 =	vld [tilespmem:s10+$0x1C450];
	[tilespmem:s3+$0x16060] =	vst v1  }
0x13f: {  	v1 =	vld [tilespmem:s10+$0x1C460];
	[tilespmem:s3+$0x16070] =	vst v0;
	s3 =	smov.u32 s10  }
0x140: {  	v0 =	vld [tilespmem:s3+$0x1C470]  }
0x141: {  	v6 =	vld [tilespmem:s3+$0x16000]  }
0x142: {  	v7 =	vld [tilespmem:s3+$0x16010]  }
.Ltmp10:
0x143: {  	v10 =	vld [tilespmem:s3+$0x16020];
	(pc) =	sbr.rel @p0 .LBB2_18-.Ltmp10, $4  }
0x144: {  	v9 =	vld [tilespmem:s3+$0x16030]  }
0x145: {  	v8 =	vld [tilespmem:s3+$0x16040]  }
0x146: {  	v12 =	vadd.f32 v12, v6;
	v6 =	vld [tilespmem:s3+$0x16050]  }
0x147: {  	s7 =	sadd.s32 $0x200, s7;
	v11 =	vadd.f32 v11, v7;
	v7 =	vld [tilespmem:s3+$0x16060]  }
0x148: {  	[tilespmem:s3+$0x16000] =	vst v12;
	v5 =	vadd.f32 v5, v10;
	v63 =	vld [tilespmem:s3+$0x16070]  }
0x149: {  	[tilespmem:s3+$0x16010] =	vst v11;
	v4 =	vadd.f32 v4, v9  }
0x14a: {  	[tilespmem:s3+$0x16020] =	vst v5;
	v3 =	vadd.f32 v3, v8  }
0x14b: {  	[tilespmem:s3+$0x16030] =	vst v4;
	v2 =	vadd.f32 v2, v6  }
.Ltmp11:
0x14c: {  	[tilespmem:s3+$0x16040] =	vst v3;
	v1 =	vadd.f32 v1, v7;
	(pc) =	sbr.rel .LBB2_2-.Ltmp11, $4  }
0x14d: {  	[tilespmem:s3+$0x16050] =	vst v2;
	v0 =	vadd.f32 v0, v63  }
0x14e: {  	[tilespmem:s3+$0x16060] =	vst v1  }
0x14f: {  	s0 =	sadd.s32 s0, s8;
	s2 =	sadd.s32 $0x1, s2;
	[tilespmem:s3+$0x16070] =	vst v0  }
0x150: {  	[hbm4b:s0+s6] =	stream.linear.scatter [tilespmem:s22], [sflag:$0x9], $0x3000, $0x38;
	[tilespmem:$0x1F400] =	vst v63  }
.LBB2_21:
0x151: {  	_ =	sfence.sel $0x180000  }
0x152: {  	[bflag:$0x0] =	sbarrier.arrive $0xFFFF  }
0x153: {  	_ =	strace $0x90000047  }
0x154: {  	s0 =	stileid.u32;
	[bflag:$0x2] =	sbarrier.arrive $0xFFFF  }
0x155: {  	p0 =	sne.s32 s0, $0x0;
	s0 =	rddreg [dreg:$0x4]  }
0x156: {  	s0 =	sadd.s32 @!p0 $0x100000, s0  }
0x157: {  	[sflag:s0] =	ssyncadd.tile.s32 @!p0 $0x1;
	_ =	shalt  }
.Lfunc_end2:
_tile_overlayer_lowered:
.L_overlay_start_2:
0x158: {  	(tag) =	ssettag $0x2  }
0x159: {  	s0 =	rddreg [dreg:$0x0];
	s2 =	stileid.u32  }
0x15a: {  	s1 =	rddreg [dreg:$0x1];
	p0 =	sne.s32 s2, $0x0  }
0x15b: {  	s3 =	rddreg [dreg:$0x2];
	[bflag:$0x3] =	sbarrier.arrive $0xFFFF;
	s2 =	simm.s32 @!p0 $0x1C0A  }
0x15c: {  	[timem:s3], [sflag:s2] =	dma.local @!p0 [hbm:s0], s1  }
0x15d: {  	s0 =	simm.s32 @!p0 $0xA  }
0x15e: {  	_ =	swait.ge @!p0 [sflag:s0], s1  }
0x15f: {  	s1 =	ssub.s32 @!p0 $0x0, s1;
	[sflag:s0] =	ssyncset.done @!p0 $0x0  }
0x160: {  	[sflag:s0] =	ssyncadd.s32 @!p0 s1  }
0x161: {  	[bflag:$0x3] =	sbarrier.arrive $0xFFFF  }
0x162: {  	_ =	shalt  }

</sc_bundles>
